<compile_context>
chip_gen: v7x
topology: tpu7x:2x2x1
jax: 0.10.2.dev20260603
libtpu: 0.0.44.dev20260713+nightly
codegen_flags: <defaults>
</compile_context>

<pallas_src>
import jax
import jax.numpy as jnp
import numpy as np
from jax import lax
from jax.experimental import pallas as pl
from jax.experimental.pallas import tpu as pltpu
from jax.experimental.pallas import tpu_sc as plsc

B, E, C, HW, K = 32, 64, 768, 576, 8
NEG = -3.0e38
SCALE = float(np.float32(np.float32(1.0) / np.float32(HW)) / np.float32(128.0))
NC, NS, L = 2, 16, 16


BPB = 4


def _pool_body(x_ref, w_ref, b_ref, out_ref):
    bidx = pl.program_id(0)
    ones = jnp.ones((HW, 128), jnp.float32)
    for j in range(BPB):
        xb = x_ref[j].astype(jnp.bfloat16)
        logits = lax.dot_general(
            w_ref[...], xb, (((1,), (0,)), ((), ())),
            preferred_element_type=jnp.float32)
        ssum = lax.dot_general(
            logits, ones, (((1,), (0,)), ((), ())),
            precision=lax.Precision.HIGHEST,
            preferred_element_type=jnp.float32)
        out_ref[pl.ds(bidx * BPB + j, 1)] = (
            jnp.sum(ssum, axis=1) * SCALE + b_ref[0])[None]


def _lane_reduce(x, op):
    iota = lax.broadcasted_iota(jnp.int32, (L,), 0)
    dnums = lax.GatherDimensionNumbers(
        offset_dims=(), collapsed_slice_dims=(0,), start_index_map=(0,))
    for s in (8, 4, 2, 1):
        perm = jnp.reshape(iota ^ s, (L, 1))
        x = op(x, lax.gather(x, perm, dnums, (1,),
                             mode=lax.GatherScatterMode.PROMISE_IN_BOUNDS))
    return x


def _route_body(pooled_hbm, out_hbm, row_v, orow_v):
    wid = lax.axis_index("s") * NC + lax.axis_index("c")
    pltpu.sync_copy(pooled_hbm.at[wid], row_v)
    iota = lax.broadcasted_iota(jnp.int32, (L,), 0)
    v = [row_v[pl.ds(L * j, L)] for j in range(E // L)]
    gidx = [iota + L * j for j in range(E // L)]

    sel_vals = jnp.zeros((L,), jnp.float32)
    sel_idx = jnp.zeros((L,), jnp.int32)
    row_max = None
    for k in range(K):
        m = _lane_reduce(jnp.maximum(jnp.maximum(v[0], v[1]),
                                     jnp.maximum(v[2], v[3])), jnp.maximum)
        cand = [jnp.where(v[j] == m, gidx[j], E) for j in range(E // L)]
        idx = _lane_reduce(jnp.minimum(jnp.minimum(cand[0], cand[1]),
                                       jnp.minimum(cand[2], cand[3])),
                           jnp.minimum)
        sel_vals = jnp.where(iota == k, m, sel_vals)
        sel_idx = jnp.where(iota == k, idx, sel_idx)
        if row_max is None:
            row_max = m
        v = [jnp.where(gidx[j] == idx, jnp.float32(NEG), v[j])
             for j in range(E // L)]

    kmask = iota < K
    e = jnp.where(kmask, jnp.exp(sel_vals - row_max), 0.0)
    probs = e / _lane_reduce(e, jnp.add)

    zeros = jnp.zeros((L,), jnp.float32)
    for j in range(E // L):
        orow_v[pl.ds(L * j, L)] = zeros
    plsc.store_scatter(orow_v, [sel_idx], probs, mask=kmask)
    pltpu.sync_copy(orow_v, out_hbm.at[wid])


def kernel(x, W, b):
    xr = x.reshape(B, C, HW)
    Wb = W.astype(jnp.bfloat16)
    pooled = pl.pallas_call(
        _pool_body,
        grid=(B // BPB,),
        in_specs=[
            pl.BlockSpec((BPB, C, HW), lambda i: (i, 0, 0)),
            pl.BlockSpec((E, C), lambda i: (0, 0)),
            pl.BlockSpec((1, E), lambda i: (0, 0)),
        ],
        out_specs=pl.BlockSpec((B, E), lambda i: (0, 0)),
        out_shape=jax.ShapeDtypeStruct((B, E), jnp.float32),
        compiler_params=pltpu.CompilerParams(
            dimension_semantics=("arbitrary",)),
    )(xr, Wb, b.reshape(1, E))

    route = pl.kernel(
        _route_body,
        mesh=plsc.VectorSubcoreMesh(core_axis_name="c", subcore_axis_name="s"),
        out_type=jax.ShapeDtypeStruct((B, E), jnp.float32),
        scratch_types=[pltpu.VMEM((E,), jnp.float32),
                       pltpu.VMEM((E,), jnp.float32)],
        compiler_params=pltpu.CompilerParams(needs_layout_passes=False),
    )
    return route(pooled)

# --- scband reference (transcript-rebuilt; emitter-appended) ---
"""Pipeline reference for scband-gating-network-54546084659221 (READ-ONLY COPY).

The authoritative reference and input builder live on the scoring server;
editing this copy changes nothing except your own understanding.
"""

import jax, jax.numpy as jnp
import numpy as np

NUM_EXPERTS = 64
TOP_K = 8
IN_CH = 768

def setup_inputs(seed: int = 0) -> dict:
    key = jax.random.key(seed)
    k1, k2 = jax.random.split(key, 2)
    x = jax.random.normal(k1, (32, IN_CH, 24, 24), dtype=jnp.float32)
    # GatedExpertModule: 1x1 conv projecting input_channels -> num_experts
    W = jax.random.normal(k2, (NUM_EXPERTS, IN_CH), dtype=jnp.float32) * 0.02
    b = jnp.zeros((NUM_EXPERTS,), dtype=jnp.float32)
    return {"x": x, "W": W, "b": b}

def reference(x, W, b):
    # forward_with_conv: conv1x1 gating over feature map, global-average-pool,
    # top-k sparse softmax gating weights per sample.
    # 1x1 conv == channel contraction
    logits_map = jnp.einsum('bchw,ec->behw', x, W) + b[None, :, None, None]
    pooled = jnp.mean(logits_map, axis=(2, 3))  # [B, E]
    vals, idx = jax.lax.top_k(pooled, TOP_K)    # [B, K]
    gates = jax.nn.softmax(vals, axis=-1)       # softmax over selected experts
    B = pooled.shape[0]
    out = jnp.zeros_like(pooled)
    out = out.at[jnp.arange(B)[:, None], idx].set(gates)  # scatter-overwrite
    return out

if __name__ == "__main__":
    import jax
    _d = setup_inputs()
    print(jax.jit(kernel)(*tuple(_d.values())))

</pallas_src>

<mosaic_0001>
#map = affine_map<(d0, d1) -> (0, 0)>
module attributes {stable_mosaic.version = 14 : i64} {
  func.func @_route_body(%arg0: i32, %arg1: i32, %arg2: memref<32x64xf32, #tpu.memory_space<hbm>>, %arg3: memref<32x64xf32, #tpu.memory_space<hbm>>, %arg4: memref<64xf32, #tpu.memory_space<vmem>>, %arg5: memref<64xf32, #tpu.memory_space<vmem>>) attributes {dimension_semantics = [#tpu.dimension_semantics<core_parallel>, #tpu.dimension_semantics<subcore_parallel>], iteration_bounds = array<i64: 2, 16>, scalar_prefetch = 0 : i64, scratch_operands = 2 : i64, tpu.core_type = #tpu.core_type<sc_vector_subcore>, window_params = [{transform_indices = #map}, {transform_indices = #map}]} {
    %mul3A = arith.constant 2 : i32
    %mul3A_0 = arith.muli %arg1, %mul3A : i32
    %add3A = arith.addi %mul3A_0, %arg0 : i32
    "tpu.region"() ({
      %run_scoped3A = tpu.sem_alloc : memref<!tpu.dma_semaphore, #tpu.memory_space<semaphore_mem>>
      %dma_start3A = arith.constant 0 : i32
      %dma_start3A_890 = tpu.memref_slice %arg2[%add3A, %dma_start3A] : memref<32x64xf32, #tpu.memory_space<hbm>> -> memref<1x64xf32, #tpu.memory_space<hbm>>
      %dma_start3A_891 = tpu.memref_squeeze %dma_start3A_890 : memref<1x64xf32, #tpu.memory_space<hbm>> -> memref<64xf32, #tpu.memory_space<hbm>>
      %dma_start3A_892 = arith.constant 0 : i32
      %dma_start3A_893 = tpu.memref_slice %arg2[%add3A, %dma_start3A_892] : memref<32x64xf32, #tpu.memory_space<hbm>> -> memref<1x64xf32, #tpu.memory_space<hbm>>
      %dma_start3A_894 = tpu.memref_squeeze %dma_start3A_893 : memref<1x64xf32, #tpu.memory_space<hbm>> -> memref<64xf32, #tpu.memory_space<hbm>>
      tpu.enqueue_dma source(%dma_start3A_894 : memref<64xf32, #tpu.memory_space<hbm>>) target(%arg4 : memref<64xf32, #tpu.memory_space<vmem>>) target_semaphore(%run_scoped3A : memref<!tpu.dma_semaphore, #tpu.memory_space<semaphore_mem>>)
      %dma_wait3A = arith.constant 0 : i32
      %dma_wait3A_895 = tpu.memref_slice %arg2[%add3A, %dma_wait3A] : memref<32x64xf32, #tpu.memory_space<hbm>> -> memref<1x64xf32, #tpu.memory_space<hbm>>
      %dma_wait3A_896 = tpu.memref_squeeze %dma_wait3A_895 : memref<1x64xf32, #tpu.memory_space<hbm>> -> memref<64xf32, #tpu.memory_space<hbm>>
      %dma_wait3A_897 = arith.constant 0 : i32
      %dma_wait3A_898 = tpu.memref_slice %arg2[%add3A, %dma_wait3A_897] : memref<32x64xf32, #tpu.memory_space<hbm>> -> memref<1x64xf32, #tpu.memory_space<hbm>>
      %dma_wait3A_899 = tpu.memref_squeeze %dma_wait3A_898 : memref<1x64xf32, #tpu.memory_space<hbm>> -> memref<64xf32, #tpu.memory_space<hbm>>
      tpu.wait_dma2 semaphore(%run_scoped3A : memref<!tpu.dma_semaphore, #tpu.memory_space<semaphore_mem>>) src(%dma_wait3A_899 : memref<64xf32, #tpu.memory_space<hbm>>) dst(%arg4 : memref<64xf32, #tpu.memory_space<vmem>>)
      tpu.yield
    }) : () -> ()
    %iota3A = tpu.iota {dimensions = array<i32: 0>} : vector<16xi32>
    %get3A = arith.constant 0 : index
    %get3A_1 = tpu.vector_load %arg4[%get3A] {strides = array<i32>} : memref<64xf32, #tpu.memory_space<vmem>>, vector<16xf32>,
    %get3A_2 = arith.constant 16 : index
    %get3A_3 = tpu.vector_load %arg4[%get3A_2] {strides = array<i32>} : memref<64xf32, #tpu.memory_space<vmem>>, vector<16xf32>,
    %get3A_4 = arith.constant 32 : index
    %get3A_5 = tpu.vector_load %arg4[%get3A_4] {strides = array<i32>} : memref<64xf32, #tpu.memory_space<vmem>>, vector<16xf32>,
    %get3A_6 = arith.constant 48 : index
    %get3A_7 = tpu.vector_load %arg4[%get3A_6] {strides = array<i32>} : memref<64xf32, #tpu.memory_space<vmem>>, vector<16xf32>,
    %add3A_8 = arith.constant 0 : i32
    %add3A_9 = vector.broadcast %add3A_8 : i32 to vector<16xi32>
    %add3A_10 = arith.addi %iota3A, %add3A_9 : vector<16xi32>
    %add3A_11 = arith.constant 16 : i32
    %add3A_12 = vector.broadcast %add3A_11 : i32 to vector<16xi32>
    %add3A_13 = arith.addi %iota3A, %add3A_12 : vector<16xi32>
    %add3A_14 = arith.constant 32 : i32
    %add3A_15 = vector.broadcast %add3A_14 : i32 to vector<16xi32>
    %add3A_16 = arith.addi %iota3A, %add3A_15 : vector<16xi32>
    %add3A_17 = arith.constant 48 : i32
    %add3A_18 = vector.broadcast %add3A_17 : i32 to vector<16xi32>
    %add3A_19 = arith.addi %iota3A, %add3A_18 : vector<16xi32>
    %broadcast_in_dim3A = arith.constant 0.000000e+00 : f32
    %broadcast_in_dim3A_20 = vector.broadcast %broadcast_in_dim3A : f32 to vector<16xf32>
    %broadcast_in_dim3A_21 = arith.constant 0 : i32
    %broadcast_in_dim3A_22 = vector.broadcast %broadcast_in_dim3A_21 : i32 to vector<16xi32>
    %max3A = arith.maximumf %get3A_1, %get3A_3 : vector<16xf32>
    %max3A_23 = arith.maximumf %get3A_5, %get3A_7 : vector<16xf32>
    %max3A_24 = arith.maximumf %max3A, %max3A_23 : vector<16xf32>
    %iota3A_25 = tpu.iota {dimensions = array<i32: 0>} : vector<16xi32>
    %xor3A = arith.constant 8 : i32
    %xor3A_26 = vector.broadcast %xor3A : i32 to vector<16xi32>
    %xor3A_27 = arith.xori %iota3A_25, %xor3A_26 : vector<16xi32>
    %reshape3A = vector.shape_cast %xor3A_27 : vector<16xi32> to vector<16x1xi32>
    %gather3A = vector.shape_cast %reshape3A : vector<16x1xi32> to vector<16xi32>
    %gather3A_28 = tpu.dynamic_gather %max3A_24[%gather3A] in [0] : vector<16xf32>, vector<16xi32> -> vector<16xf32>
    %max3A_29 = arith.maximumf %max3A_24, %gather3A_28 : vector<16xf32>
    %xor3A_30 = arith.constant 4 : i32
    %xor3A_31 = vector.broadcast %xor3A_30 : i32 to vector<16xi32>
    %xor3A_32 = arith.xori %iota3A_25, %xor3A_31 : vector<16xi32>
    %reshape3A_33 = vector.shape_cast %xor3A_32 : vector<16xi32> to vector<16x1xi32>
    %gather3A_34 = vector.shape_cast %reshape3A_33 : vector<16x1xi32> to vector<16xi32>
    %gather3A_35 = tpu.dynamic_gather %max3A_29[%gather3A_34] in [0] : vector<16xf32>, vector<16xi32> -> vector<16xf32>
    %max3A_36 = arith.maximumf %max3A_29, %gather3A_35 : vector<16xf32>
    %xor3A_37 = arith.constant 2 : i32
    %xor3A_38 = vector.broadcast %xor3A_37 : i32 to vector<16xi32>
    %xor3A_39 = arith.xori %iota3A_25, %xor3A_38 : vector<16xi32>
    %reshape3A_40 = vector.shape_cast %xor3A_39 : vector<16xi32> to vector<16x1xi32>
    %gather3A_41 = vector.shape_cast %reshape3A_40 : vector<16x1xi32> to vector<16xi32>
    %gather3A_42 = tpu.dynamic_gather %max3A_36[%gather3A_41] in [0] : vector<16xf32>, vector<16xi32> -> vector<16xf32>
    %max3A_43 = arith.maximumf %max3A_36, %gather3A_42 : vector<16xf32>
    %xor3A_44 = arith.constant 1 : i32
    %xor3A_45 = vector.broadcast %xor3A_44 : i32 to vector<16xi32>
    %xor3A_46 = arith.xori %iota3A_25, %xor3A_45 : vector<16xi32>
    %reshape3A_47 = vector.shape_cast %xor3A_46 : vector<16xi32> to vector<16x1xi32>
    %gather3A_48 = vector.shape_cast %reshape3A_47 : vector<16x1xi32> to vector<16xi32>
    %gather3A_49 = tpu.dynamic_gather %max3A_43[%gather3A_48] in [0] : vector<16xf32>, vector<16xi32> -> vector<16xf32>
    %max3A_50 = arith.maximumf %max3A_43, %gather3A_49 : vector<16xf32>
    %eq3A = arith.cmpf oeq, %get3A_1, %max3A_50 : vector<16xf32>
    %jit3A = arith.constant 64 : i32
    %broadcast_in_dim3A_51 = vector.broadcast %jit3A : i32 to vector<16xi32>
    %select_n3A = arith.select %eq3A, %add3A_10, %broadcast_in_dim3A_51 : vector<16xi1>, vector<16xi32>
    %eq3A_52 = arith.cmpf oeq, %get3A_3, %max3A_50 : vector<16xf32>
    %jit3A_53 = arith.constant 64 : i32
    %broadcast_in_dim3A_54 = vector.broadcast %jit3A_53 : i32 to vector<16xi32>
    %select_n3A_55 = arith.select %eq3A_52, %add3A_13, %broadcast_in_dim3A_54 : vector<16xi1>, vector<16xi32>
    %eq3A_56 = arith.cmpf oeq, %get3A_5, %max3A_50 : vector<16xf32>
    %jit3A_57 = arith.constant 64 : i32
    %broadcast_in_dim3A_58 = vector.broadcast %jit3A_57 : i32 to vector<16xi32>
    %select_n3A_59 = arith.select %eq3A_56, %add3A_16, %broadcast_in_dim3A_58 : vector<16xi1>, vector<16xi32>
    %eq3A_60 = arith.cmpf oeq, %get3A_7, %max3A_50 : vector<16xf32>
    %jit3A_61 = arith.constant 64 : i32
    %broadcast_in_dim3A_62 = vector.broadcast %jit3A_61 : i32 to vector<16xi32>
    %select_n3A_63 = arith.select %eq3A_60, %add3A_19, %broadcast_in_dim3A_62 : vector<16xi1>, vector<16xi32>
    %min3A = arith.minsi %select_n3A, %select_n3A_55 : vector<16xi32>
    %min3A_64 = arith.minsi %select_n3A_59, %select_n3A_63 : vector<16xi32>
    %min3A_65 = arith.minsi %min3A, %min3A_64 : vector<16xi32>
    %iota3A_66 = tpu.iota {dimensions = array<i32: 0>} : vector<16xi32>
    %xor3A_67 = arith.constant 8 : i32
    %xor3A_68 = vector.broadcast %xor3A_67 : i32 to vector<16xi32>
    %xor3A_69 = arith.xori %iota3A_66, %xor3A_68 : vector<16xi32>
    %reshape3A_70 = vector.shape_cast %xor3A_69 : vector<16xi32> to vector<16x1xi32>
    %gather3A_71 = vector.shape_cast %reshape3A_70 : vector<16x1xi32> to vector<16xi32>
    %gather3A_72 = tpu.dynamic_gather %min3A_65[%gather3A_71] in [0] : vector<16xi32>, vector<16xi32> -> vector<16xi32>
    %min3A_73 = arith.minsi %min3A_65, %gather3A_72 : vector<16xi32>
    %xor3A_74 = arith.constant 4 : i32
    %xor3A_75 = vector.broadcast %xor3A_74 : i32 to vector<16xi32>
    %xor3A_76 = arith.xori %iota3A_66, %xor3A_75 : vector<16xi32>
    %reshape3A_77 = vector.shape_cast %xor3A_76 : vector<16xi32> to vector<16x1xi32>
    %gather3A_78 = vector.shape_cast %reshape3A_77 : vector<16x1xi32> to vector<16xi32>
    %gather3A_79 = tpu.dynamic_gather %min3A_73[%gather3A_78] in [0] : vector<16xi32>, vector<16xi32> -> vector<16xi32>
    %min3A_80 = arith.minsi %min3A_73, %gather3A_79 : vector<16xi32>
    %xor3A_81 = arith.constant 2 : i32
    %xor3A_82 = vector.broadcast %xor3A_81 : i32 to vector<16xi32>
    %xor3A_83 = arith.xori %iota3A_66, %xor3A_82 : vector<16xi32>
    %reshape3A_84 = vector.shape_cast %xor3A_83 : vector<16xi32> to vector<16x1xi32>
    %gather3A_85 = vector.shape_cast %reshape3A_84 : vector<16x1xi32> to vector<16xi32>
    %gather3A_86 = tpu.dynamic_gather %min3A_80[%gather3A_85] in [0] : vector<16xi32>, vector<16xi32> -> vector<16xi32>
    %min3A_87 = arith.minsi %min3A_80, %gather3A_86 : vector<16xi32>
    %xor3A_88 = arith.constant 1 : i32
    %xor3A_89 = vector.broadcast %xor3A_88 : i32 to vector<16xi32>
    %xor3A_90 = arith.xori %iota3A_66, %xor3A_89 : vector<16xi32>
    %reshape3A_91 = vector.shape_cast %xor3A_90 : vector<16xi32> to vector<16x1xi32>
    %gather3A_92 = vector.shape_cast %reshape3A_91 : vector<16x1xi32> to vector<16xi32>
    %gather3A_93 = tpu.dynamic_gather %min3A_87[%gather3A_92] in [0] : vector<16xi32>, vector<16xi32> -> vector<16xi32>
    %min3A_94 = arith.minsi %min3A_87, %gather3A_93 : vector<16xi32>
    %eq3A_95 = arith.constant 0 : i32
    %eq3A_96 = vector.broadcast %eq3A_95 : i32 to vector<16xi32>
    %eq3A_97 = arith.cmpi eq, %iota3A, %eq3A_96 : vector<16xi32>
    %select_n3A_98 = arith.select %eq3A_97, %max3A_50, %broadcast_in_dim3A_20 : vector<16xi1>, vector<16xf32>
    %eq3A_99 = arith.constant 0 : i32
    %eq3A_100 = vector.broadcast %eq3A_99 : i32 to vector<16xi32>
    %eq3A_101 = arith.cmpi eq, %iota3A, %eq3A_100 : vector<16xi32>
    %select_n3A_102 = arith.select %eq3A_101, %min3A_94, %broadcast_in_dim3A_22 : vector<16xi1>, vector<16xi32>
    %eq3A_103 = arith.cmpi eq, %add3A_10, %min3A_94 : vector<16xi32>
    %jit3A_104 = arith.constant -3.000000e+38 : f32
    %broadcast_in_dim3A_105 = vector.broadcast %jit3A_104 : f32 to vector<16xf32>
    %select_n3A_106 = arith.select %eq3A_103, %broadcast_in_dim3A_105, %get3A_1 : vector<16xi1>, vector<16xf32>
    %eq3A_107 = arith.cmpi eq, %add3A_13, %min3A_94 : vector<16xi32>
    %jit3A_108 = arith.constant -3.000000e+38 : f32
    %broadcast_in_dim3A_109 = vector.broadcast %jit3A_108 : f32 to vector<16xf32>
    %select_n3A_110 = arith.select %eq3A_107, %broadcast_in_dim3A_109, %get3A_3 : vector<16xi1>, vector<16xf32>
    %eq3A_111 = arith.cmpi eq, %add3A_16, %min3A_94 : vector<16xi32>
    %jit3A_112 = arith.constant -3.000000e+38 : f32
    %broadcast_in_dim3A_113 = vector.broadcast %jit3A_112 : f32 to vector<16xf32>
    %select_n3A_114 = arith.select %eq3A_111, %broadcast_in_dim3A_113, %get3A_5 : vector<16xi1>, vector<16xf32>
    %eq3A_115 = arith.cmpi eq, %add3A_19, %min3A_94 : vector<16xi32>
    %jit3A_116 = arith.constant -3.000000e+38 : f32
    %broadcast_in_dim3A_117 = vector.broadcast %jit3A_116 : f32 to vector<16xf32>
    %select_n3A_118 = arith.select %eq3A_115, %broadcast_in_dim3A_117, %get3A_7 : vector<16xi1>, vector<16xf32>
    %max3A_119 = arith.maximumf %select_n3A_106, %select_n3A_110 : vector<16xf32>
    %max3A_120 = arith.maximumf %select_n3A_114, %select_n3A_118 : vector<16xf32>
    %max3A_121 = arith.maximumf %max3A_119, %max3A_120 : vector<16xf32>
    %iota3A_122 = tpu.iota {dimensions = array<i32: 0>} : vector<16xi32>
    %xor3A_123 = arith.constant 8 : i32
    %xor3A_124 = vector.broadcast %xor3A_123 : i32 to vector<16xi32>
    %xor3A_125 = arith.xori %iota3A_122, %xor3A_124 : vector<16xi32>
    %reshape3A_126 = vector.shape_cast %xor3A_125 : vector<16xi32> to vector<16x1xi32>
    %gather3A_127 = vector.shape_cast %reshape3A_126 : vector<16x1xi32> to vector<16xi32>
    %gather3A_128 = tpu.dynamic_gather %max3A_121[%gather3A_127] in [0] : vector<16xf32>, vector<16xi32> -> vector<16xf32>
    %max3A_129 = arith.maximumf %max3A_121, %gather3A_128 : vector<16xf32>
    %xor3A_130 = arith.constant 4 : i32
    %xor3A_131 = vector.broadcast %xor3A_130 : i32 to vector<16xi32>
    %xor3A_132 = arith.xori %iota3A_122, %xor3A_131 : vector<16xi32>
    %reshape3A_133 = vector.shape_cast %xor3A_132 : vector<16xi32> to vector<16x1xi32>
    %gather3A_134 = vector.shape_cast %reshape3A_133 : vector<16x1xi32> to vector<16xi32>
    %gather3A_135 = tpu.dynamic_gather %max3A_129[%gather3A_134] in [0] : vector<16xf32>, vector<16xi32> -> vector<16xf32>
    %max3A_136 = arith.maximumf %max3A_129, %gather3A_135 : vector<16xf32>
    %xor3A_137 = arith.constant 2 : i32
    %xor3A_138 = vector.broadcast %xor3A_137 : i32 to vector<16xi32>
    %xor3A_139 = arith.xori %iota3A_122, %xor3A_138 : vector<16xi32>
    %reshape3A_140 = vector.shape_cast %xor3A_139 : vector<16xi32> to vector<16x1xi32>
    %gather3A_141 = vector.shape_cast %reshape3A_140 : vector<16x1xi32> to vector<16xi32>
    %gather3A_142 = tpu.dynamic_gather %max3A_136[%gather3A_141] in [0] : vector<16xf32>, vector<16xi32> -> vector<16xf32>
    %max3A_143 = arith.maximumf %max3A_136, %gather3A_142 : vector<16xf32>
    %xor3A_144 = arith.constant 1 : i32
    %xor3A_145 = vector.broadcast %xor3A_144 : i32 to vector<16xi32>
    %xor3A_146 = arith.xori %iota3A_122, %xor3A_145 : vector<16xi32>
    %reshape3A_147 = vector.shape_cast %xor3A_146 : vector<16xi32> to vector<16x1xi32>
    %gather3A_148 = vector.shape_cast %reshape3A_147 : vector<16x1xi32> to vector<16xi32>
    %gather3A_149 = tpu.dynamic_gather %max3A_143[%gather3A_148] in [0] : vector<16xf32>, vector<16xi32> -> vector<16xf32>
    %max3A_150 = arith.maximumf %max3A_143, %gather3A_149 : vector<16xf32>
    %eq3A_151 = arith.cmpf oeq, %select_n3A_106, %max3A_150 : vector<16xf32>
    %jit3A_152 = arith.constant 64 : i32
    %broadcast_in_dim3A_153 = vector.broadcast %jit3A_152 : i32 to vector<16xi32>
    %select_n3A_154 = arith.select %eq3A_151, %add3A_10, %broadcast_in_dim3A_153 : vector<16xi1>, vector<16xi32>
    %eq3A_155 = arith.cmpf oeq, %select_n3A_110, %max3A_150 : vector<16xf32>
    %jit3A_156 = arith.constant 64 : i32
    %broadcast_in_dim3A_157 = vector.broadcast %jit3A_156 : i32 to vector<16xi32>
    %select_n3A_158 = arith.select %eq3A_155, %add3A_13, %broadcast_in_dim3A_157 : vector<16xi1>, vector<16xi32>
    %eq3A_159 = arith.cmpf oeq, %select_n3A_114, %max3A_150 : vector<16xf32>
    %jit3A_160 = arith.constant 64 : i32
    %broadcast_in_dim3A_161 = vector.broadcast %jit3A_160 : i32 to vector<16xi32>
    %select_n3A_162 = arith.select %eq3A_159, %add3A_16, %broadcast_in_dim3A_161 : vector<16xi1>, vector<16xi32>
    %eq3A_163 = arith.cmpf oeq, %select_n3A_118, %max3A_150 : vector<16xf32>
    %jit3A_164 = arith.constant 64 : i32
    %broadcast_in_dim3A_165 = vector.broadcast %jit3A_164 : i32 to vector<16xi32>
    %select_n3A_166 = arith.select %eq3A_163, %add3A_19, %broadcast_in_dim3A_165 : vector<16xi1>, vector<16xi32>
    %min3A_167 = arith.minsi %select_n3A_154, %select_n3A_158 : vector<16xi32>
    %min3A_168 = arith.minsi %select_n3A_162, %select_n3A_166 : vector<16xi32>
    %min3A_169 = arith.minsi %min3A_167, %min3A_168 : vector<16xi32>
    %iota3A_170 = tpu.iota {dimensions = array<i32: 0>} : vector<16xi32>
    %xor3A_171 = arith.constant 8 : i32
    %xor3A_172 = vector.broadcast %xor3A_171 : i32 to vector<16xi32>
    %xor3A_173 = arith.xori %iota3A_170, %xor3A_172 : vector<16xi32>
    %reshape3A_174 = vector.shape_cast %xor3A_173 : vector<16xi32> to vector<16x1xi32>
    %gather3A_175 = vector.shape_cast %reshape3A_174 : vector<16x1xi32> to vector<16xi32>
    %gather3A_176 = tpu.dynamic_gather %min3A_169[%gather3A_175] in [0] : vector<16xi32>, vector<16xi32> -> vector<16xi32>
    %min3A_177 = arith.minsi %min3A_169, %gather3A_176 : vector<16xi32>
    %xor3A_178 = arith.constant 4 : i32
    %xor3A_179 = vector.broadcast %xor3A_178 : i32 to vector<16xi32>
    %xor3A_180 = arith.xori %iota3A_170, %xor3A_179 : vector<16xi32>
    %reshape3A_181 = vector.shape_cast %xor3A_180 : vector<16xi32> to vector<16x1xi32>
    %gather3A_182 = vector.shape_cast %reshape3A_181 : vector<16x1xi32> to vector<16xi32>
    %gather3A_183 = tpu.dynamic_gather %min3A_177[%gather3A_182] in [0] : vector<16xi32>, vector<16xi32> -> vector<16xi32>
    %min3A_184 = arith.minsi %min3A_177, %gather3A_183 : vector<16xi32>
    %xor3A_185 = arith.constant 2 : i32
    %xor3A_186 = vector.broadcast %xor3A_185 : i32 to vector<16xi32>
    %xor3A_187 = arith.xori %iota3A_170, %xor3A_186 : vector<16xi32>
    %reshape3A_188 = vector.shape_cast %xor3A_187 : vector<16xi32> to vector<16x1xi32>
    %gather3A_189 = vector.shape_cast %reshape3A_188 : vector<16x1xi32> to vector<16xi32>
    %gather3A_190 = tpu.dynamic_gather %min3A_184[%gather3A_189] in [0] : vector<16xi32>, vector<16xi32> -> vector<16xi32>
    %min3A_191 = arith.minsi %min3A_184, %gather3A_190 : vector<16xi32>
    %xor3A_192 = arith.constant 1 : i32
    %xor3A_193 = vector.broadcast %xor3A_192 : i32 to vector<16xi32>
    %xor3A_194 = arith.xori %iota3A_170, %xor3A_193 : vector<16xi32>
    %reshape3A_195 = vector.shape_cast %xor3A_194 : vector<16xi32> to vector<16x1xi32>
    %gather3A_196 = vector.shape_cast %reshape3A_195 : vector<16x1xi32> to vector<16xi32>
    %gather3A_197 = tpu.dynamic_gather %min3A_191[%gather3A_196] in [0] : vector<16xi32>, vector<16xi32> -> vector<16xi32>
    %min3A_198 = arith.minsi %min3A_191, %gather3A_197 : vector<16xi32>
    %eq3A_199 = arith.constant 1 : i32
    %eq3A_200 = vector.broadcast %eq3A_199 : i32 to vector<16xi32>
    %eq3A_201 = arith.cmpi eq, %iota3A, %eq3A_200 : vector<16xi32>
    %select_n3A_202 = arith.select %eq3A_201, %max3A_150, %select_n3A_98 : vector<16xi1>, vector<16xf32>
    %eq3A_203 = arith.constant 1 : i32
    %eq3A_204 = vector.broadcast %eq3A_203 : i32 to vector<16xi32>
    %eq3A_205 = arith.cmpi eq, %iota3A, %eq3A_204 : vector<16xi32>
    %select_n3A_206 = arith.select %eq3A_205, %min3A_198, %select_n3A_102 : vector<16xi1>, vector<16xi32>
    %eq3A_207 = arith.cmpi eq, %add3A_10, %min3A_198 : vector<16xi32>
    %jit3A_208 = arith.constant -3.000000e+38 : f32
    %broadcast_in_dim3A_209 = vector.broadcast %jit3A_208 : f32 to vector<16xf32>
    %select_n3A_210 = arith.select %eq3A_207, %broadcast_in_dim3A_209, %select_n3A_106 : vector<16xi1>, vector<16xf32>
    %eq3A_211 = arith.cmpi eq, %add3A_13, %min3A_198 : vector<16xi32>
    %jit3A_212 = arith.constant -3.000000e+38 : f32
    %broadcast_in_dim3A_213 = vector.broadcast %jit3A_212 : f32 to vector<16xf32>
    %select_n3A_214 = arith.select %eq3A_211, %broadcast_in_dim3A_213, %select_n3A_110 : vector<16xi1>, vector<16xf32>
    %eq3A_215 = arith.cmpi eq, %add3A_16, %min3A_198 : vector<16xi32>
    %jit3A_216 = arith.constant -3.000000e+38 : f32
    %broadcast_in_dim3A_217 = vector.broadcast %jit3A_216 : f32 to vector<16xf32>
    %select_n3A_218 = arith.select %eq3A_215, %broadcast_in_dim3A_217, %select_n3A_114 : vector<16xi1>, vector<16xf32>
    %eq3A_219 = arith.cmpi eq, %add3A_19, %min3A_198 : vector<16xi32>
    %jit3A_220 = arith.constant -3.000000e+38 : f32
    %broadcast_in_dim3A_221 = vector.broadcast %jit3A_220 : f32 to vector<16xf32>
    %select_n3A_222 = arith.select %eq3A_219, %broadcast_in_dim3A_221, %select_n3A_118 : vector<16xi1>, vector<16xf32>
    %max3A_223 = arith.maximumf %select_n3A_210, %select_n3A_214 : vector<16xf32>
    %max3A_224 = arith.maximumf %select_n3A_218, %select_n3A_222 : vector<16xf32>
    %max3A_225 = arith.maximumf %max3A_223, %max3A_224 : vector<16xf32>
    %iota3A_226 = tpu.iota {dimensions = array<i32: 0>} : vector<16xi32>
    %xor3A_227 = arith.constant 8 : i32
    %xor3A_228 = vector.broadcast %xor3A_227 : i32 to vector<16xi32>
    %xor3A_229 = arith.xori %iota3A_226, %xor3A_228 : vector<16xi32>
    %reshape3A_230 = vector.shape_cast %xor3A_229 : vector<16xi32> to vector<16x1xi32>
    %gather3A_231 = vector.shape_cast %reshape3A_230 : vector<16x1xi32> to vector<16xi32>
    %gather3A_232 = tpu.dynamic_gather %max3A_225[%gather3A_231] in [0] : vector<16xf32>, vector<16xi32> -> vector<16xf32>
    %max3A_233 = arith.maximumf %max3A_225, %gather3A_232 : vector<16xf32>
    %xor3A_234 = arith.constant 4 : i32
    %xor3A_235 = vector.broadcast %xor3A_234 : i32 to vector<16xi32>
    %xor3A_236 = arith.xori %iota3A_226, %xor3A_235 : vector<16xi32>
    %reshape3A_237 = vector.shape_cast %xor3A_236 : vector<16xi32> to vector<16x1xi32>
    %gather3A_238 = vector.shape_cast %reshape3A_237 : vector<16x1xi32> to vector<16xi32>
    %gather3A_239 = tpu.dynamic_gather %max3A_233[%gather3A_238] in [0] : vector<16xf32>, vector<16xi32> -> vector<16xf32>
    %max3A_240 = arith.maximumf %max3A_233, %gather3A_239 : vector<16xf32>
    %xor3A_241 = arith.constant 2 : i32
    %xor3A_242 = vector.broadcast %xor3A_241 : i32 to vector<16xi32>
    %xor3A_243 = arith.xori %iota3A_226, %xor3A_242 : vector<16xi32>
    %reshape3A_244 = vector.shape_cast %xor3A_243 : vector<16xi32> to vector<16x1xi32>
    %gather3A_245 = vector.shape_cast %reshape3A_244 : vector<16x1xi32> to vector<16xi32>
    %gather3A_246 = tpu.dynamic_gather %max3A_240[%gather3A_245] in [0] : vector<16xf32>, vector<16xi32> -> vector<16xf32>
    %max3A_247 = arith.maximumf %max3A_240, %gather3A_246 : vector<16xf32>
    %xor3A_248 = arith.constant 1 : i32
    %xor3A_249 = vector.broadcast %xor3A_248 : i32 to vector<16xi32>
    %xor3A_250 = arith.xori %iota3A_226, %xor3A_249 : vector<16xi32>
    %reshape3A_251 = vector.shape_cast %xor3A_250 : vector<16xi32> to vector<16x1xi32>
    %gather3A_252 = vector.shape_cast %reshape3A_251 : vector<16x1xi32> to vector<16xi32>
    %gather3A_253 = tpu.dynamic_gather %max3A_247[%gather3A_252] in [0] : vector<16xf32>, vector<16xi32> -> vector<16xf32>
    %max3A_254 = arith.maximumf %max3A_247, %gather3A_253 : vector<16xf32>
    %eq3A_255 = arith.cmpf oeq, %select_n3A_210, %max3A_254 : vector<16xf32>
    %jit3A_256 = arith.constant 64 : i32
    %broadcast_in_dim3A_257 = vector.broadcast %jit3A_256 : i32 to vector<16xi32>
    %select_n3A_258 = arith.select %eq3A_255, %add3A_10, %broadcast_in_dim3A_257 : vector<16xi1>, vector<16xi32>
    %eq3A_259 = arith.cmpf oeq, %select_n3A_214, %max3A_254 : vector<16xf32>
    %jit3A_260 = arith.constant 64 : i32
    %broadcast_in_dim3A_261 = vector.broadcast %jit3A_260 : i32 to vector<16xi32>
    %select_n3A_262 = arith.select %eq3A_259, %add3A_13, %broadcast_in_dim3A_261 : vector<16xi1>, vector<16xi32>
    %eq3A_263 = arith.cmpf oeq, %select_n3A_218, %max3A_254 : vector<16xf32>
    %jit3A_264 = arith.constant 64 : i32
    %broadcast_in_dim3A_265 = vector.broadcast %jit3A_264 : i32 to vector<16xi32>
    %select_n3A_266 = arith.select %eq3A_263, %add3A_16, %broadcast_in_dim3A_265 : vector<16xi1>, vector<16xi32>
    %eq3A_267 = arith.cmpf oeq, %select_n3A_222, %max3A_254 : vector<16xf32>
    %jit3A_268 = arith.constant 64 : i32
    %broadcast_in_dim3A_269 = vector.broadcast %jit3A_268 : i32 to vector<16xi32>
    %select_n3A_270 = arith.select %eq3A_267, %add3A_19, %broadcast_in_dim3A_269 : vector<16xi1>, vector<16xi32>
    %min3A_271 = arith.minsi %select_n3A_258, %select_n3A_262 : vector<16xi32>
    %min3A_272 = arith.minsi %select_n3A_266, %select_n3A_270 : vector<16xi32>
    %min3A_273 = arith.minsi %min3A_271, %min3A_272 : vector<16xi32>
    %iota3A_274 = tpu.iota {dimensions = array<i32: 0>} : vector<16xi32>
    %xor3A_275 = arith.constant 8 : i32
    %xor3A_276 = vector.broadcast %xor3A_275 : i32 to vector<16xi32>
    %xor3A_277 = arith.xori %iota3A_274, %xor3A_276 : vector<16xi32>
    %reshape3A_278 = vector.shape_cast %xor3A_277 : vector<16xi32> to vector<16x1xi32>
    %gather3A_279 = vector.shape_cast %reshape3A_278 : vector<16x1xi32> to vector<16xi32>
    %gather3A_280 = tpu.dynamic_gather %min3A_273[%gather3A_279] in [0] : vector<16xi32>, vector<16xi32> -> vector<16xi32>
    %min3A_281 = arith.minsi %min3A_273, %gather3A_280 : vector<16xi32>
    %xor3A_282 = arith.constant 4 : i32
    %xor3A_283 = vector.broadcast %xor3A_282 : i32 to vector<16xi32>
    %xor3A_284 = arith.xori %iota3A_274, %xor3A_283 : vector<16xi32>
    %reshape3A_285 = vector.shape_cast %xor3A_284 : vector<16xi32> to vector<16x1xi32>
    %gather3A_286 = vector.shape_cast %reshape3A_285 : vector<16x1xi32> to vector<16xi32>
    %gather3A_287 = tpu.dynamic_gather %min3A_281[%gather3A_286] in [0] : vector<16xi32>, vector<16xi32> -> vector<16xi32>
    %min3A_288 = arith.minsi %min3A_281, %gather3A_287 : vector<16xi32>
    %xor3A_289 = arith.constant 2 : i32
    %xor3A_290 = vector.broadcast %xor3A_289 : i32 to vector<16xi32>
    %xor3A_291 = arith.xori %iota3A_274, %xor3A_290 : vector<16xi32>
    %reshape3A_292 = vector.shape_cast %xor3A_291 : vector<16xi32> to vector<16x1xi32>
    %gather3A_293 = vector.shape_cast %reshape3A_292 : vector<16x1xi32> to vector<16xi32>
    %gather3A_294 = tpu.dynamic_gather %min3A_288[%gather3A_293] in [0] : vector<16xi32>, vector<16xi32> -> vector<16xi32>
    %min3A_295 = arith.minsi %min3A_288, %gather3A_294 : vector<16xi32>
    %xor3A_296 = arith.constant 1 : i32
    %xor3A_297 = vector.broadcast %xor3A_296 : i32 to vector<16xi32>
    %xor3A_298 = arith.xori %iota3A_274, %xor3A_297 : vector<16xi32>
    %reshape3A_299 = vector.shape_cast %xor3A_298 : vector<16xi32> to vector<16x1xi32>
    %gather3A_300 = vector.shape_cast %reshape3A_299 : vector<16x1xi32> to vector<16xi32>
    %gather3A_301 = tpu.dynamic_gather %min3A_295[%gather3A_300] in [0] : vector<16xi32>, vector<16xi32> -> vector<16xi32>
    %min3A_302 = arith.minsi %min3A_295, %gather3A_301 : vector<16xi32>
    %eq3A_303 = arith.constant 2 : i32
    %eq3A_304 = vector.broadcast %eq3A_303 : i32 to vector<16xi32>
    %eq3A_305 = arith.cmpi eq, %iota3A, %eq3A_304 : vector<16xi32>
    %select_n3A_306 = arith.select %eq3A_305, %max3A_254, %select_n3A_202 : vector<16xi1>, vector<16xf32>
    %eq3A_307 = arith.constant 2 : i32
    %eq3A_308 = vector.broadcast %eq3A_307 : i32 to vector<16xi32>
    %eq3A_309 = arith.cmpi eq, %iota3A, %eq3A_308 : vector<16xi32>
    %select_n3A_310 = arith.select %eq3A_309, %min3A_302, %select_n3A_206 : vector<16xi1>, vector<16xi32>
    %eq3A_311 = arith.cmpi eq, %add3A_10, %min3A_302 : vector<16xi32>
    %jit3A_312 = arith.constant -3.000000e+38 : f32
    %broadcast_in_dim3A_313 = vector.broadcast %jit3A_312 : f32 to vector<16xf32>
    %select_n3A_314 = arith.select %eq3A_311, %broadcast_in_dim3A_313, %select_n3A_210 : vector<16xi1>, vector<16xf32>
    %eq3A_315 = arith.cmpi eq, %add3A_13, %min3A_302 : vector<16xi32>
    %jit3A_316 = arith.constant -3.000000e+38 : f32
    %broadcast_in_dim3A_317 = vector.broadcast %jit3A_316 : f32 to vector<16xf32>
    %select_n3A_318 = arith.select %eq3A_315, %broadcast_in_dim3A_317, %select_n3A_214 : vector<16xi1>, vector<16xf32>
    %eq3A_319 = arith.cmpi eq, %add3A_16, %min3A_302 : vector<16xi32>
    %jit3A_320 = arith.constant -3.000000e+38 : f32
    %broadcast_in_dim3A_321 = vector.broadcast %jit3A_320 : f32 to vector<16xf32>
    %select_n3A_322 = arith.select %eq3A_319, %broadcast_in_dim3A_321, %select_n3A_218 : vector<16xi1>, vector<16xf32>
    %eq3A_323 = arith.cmpi eq, %add3A_19, %min3A_302 : vector<16xi32>
    %jit3A_324 = arith.constant -3.000000e+38 : f32
    %broadcast_in_dim3A_325 = vector.broadcast %jit3A_324 : f32 to vector<16xf32>
    %select_n3A_326 = arith.select %eq3A_323, %broadcast_in_dim3A_325, %select_n3A_222 : vector<16xi1>, vector<16xf32>
    %max3A_327 = arith.maximumf %select_n3A_314, %select_n3A_318 : vector<16xf32>
    %max3A_328 = arith.maximumf %select_n3A_322, %select_n3A_326 : vector<16xf32>
    %max3A_329 = arith.maximumf %max3A_327, %max3A_328 : vector<16xf32>
    %iota3A_330 = tpu.iota {dimensions = array<i32: 0>} : vector<16xi32>
    %xor3A_331 = arith.constant 8 : i32
    %xor3A_332 = vector.broadcast %xor3A_331 : i32 to vector<16xi32>
    %xor3A_333 = arith.xori %iota3A_330, %xor3A_332 : vector<16xi32>
    %reshape3A_334 = vector.shape_cast %xor3A_333 : vector<16xi32> to vector<16x1xi32>
    %gather3A_335 = vector.shape_cast %reshape3A_334 : vector<16x1xi32> to vector<16xi32>
    %gather3A_336 = tpu.dynamic_gather %max3A_329[%gather3A_335] in [0] : vector<16xf32>, vector<16xi32> -> vector<16xf32>
    %max3A_337 = arith.maximumf %max3A_329, %gather3A_336 : vector<16xf32>
    %xor3A_338 = arith.constant 4 : i32
    %xor3A_339 = vector.broadcast %xor3A_338 : i32 to vector<16xi32>
    %xor3A_340 = arith.xori %iota3A_330, %xor3A_339 : vector<16xi32>
    %reshape3A_341 = vector.shape_cast %xor3A_340 : vector<16xi32> to vector<16x1xi32>
    %gather3A_342 = vector.shape_cast %reshape3A_341 : vector<16x1xi32> to vector<16xi32>
    %gather3A_343 = tpu.dynamic_gather %max3A_337[%gather3A_342] in [0] : vector<16xf32>, vector<16xi32> -> vector<16xf32>
    %max3A_344 = arith.maximumf %max3A_337, %gather3A_343 : vector<16xf32>
    %xor3A_345 = arith.constant 2 : i32
    %xor3A_346 = vector.broadcast %xor3A_345 : i32 to vector<16xi32>
    %xor3A_347 = arith.xori %iota3A_330, %xor3A_346 : vector<16xi32>
    %reshape3A_348 = vector.shape_cast %xor3A_347 : vector<16xi32> to vector<16x1xi32>
    %gather3A_349 = vector.shape_cast %reshape3A_348 : vector<16x1xi32> to vector<16xi32>
    %gather3A_350 = tpu.dynamic_gather %max3A_344[%gather3A_349] in [0] : vector<16xf32>, vector<16xi32> -> vector<16xf32>
    %max3A_351 = arith.maximumf %max3A_344, %gather3A_350 : vector<16xf32>
    %xor3A_352 = arith.constant 1 : i32
    %xor3A_353 = vector.broadcast %xor3A_352 : i32 to vector<16xi32>
    %xor3A_354 = arith.xori %iota3A_330, %xor3A_353 : vector<16xi32>
    %reshape3A_355 = vector.shape_cast %xor3A_354 : vector<16xi32> to vector<16x1xi32>
    %gather3A_356 = vector.shape_cast %reshape3A_355 : vector<16x1xi32> to vector<16xi32>
    %gather3A_357 = tpu.dynamic_gather %max3A_351[%gather3A_356] in [0] : vector<16xf32>, vector<16xi32> -> vector<16xf32>
    %max3A_358 = arith.maximumf %max3A_351, %gather3A_357 : vector<16xf32>
    %eq3A_359 = arith.cmpf oeq, %select_n3A_314, %max3A_358 : vector<16xf32>
    %jit3A_360 = arith.constant 64 : i32
    %broadcast_in_dim3A_361 = vector.broadcast %jit3A_360 : i32 to vector<16xi32>
    %select_n3A_362 = arith.select %eq3A_359, %add3A_10, %broadcast_in_dim3A_361 : vector<16xi1>, vector<16xi32>
    %eq3A_363 = arith.cmpf oeq, %select_n3A_318, %max3A_358 : vector<16xf32>
    %jit3A_364 = arith.constant 64 : i32
    %broadcast_in_dim3A_365 = vector.broadcast %jit3A_364 : i32 to vector<16xi32>
    %select_n3A_366 = arith.select %eq3A_363, %add3A_13, %broadcast_in_dim3A_365 : vector<16xi1>, vector<16xi32>
    %eq3A_367 = arith.cmpf oeq, %select_n3A_322, %max3A_358 : vector<16xf32>
    %jit3A_368 = arith.constant 64 : i32
    %broadcast_in_dim3A_369 = vector.broadcast %jit3A_368 : i32 to vector<16xi32>
    %select_n3A_370 = arith.select %eq3A_367, %add3A_16, %broadcast_in_dim3A_369 : vector<16xi1>, vector<16xi32>
    %eq3A_371 = arith.cmpf oeq, %select_n3A_326, %max3A_358 : vector<16xf32>
    %jit3A_372 = arith.constant 64 : i32
    %broadcast_in_dim3A_373 = vector.broadcast %jit3A_372 : i32 to vector<16xi32>
    %select_n3A_374 = arith.select %eq3A_371, %add3A_19, %broadcast_in_dim3A_373 : vector<16xi1>, vector<16xi32>
    %min3A_375 = arith.minsi %select_n3A_362, %select_n3A_366 : vector<16xi32>
    %min3A_376 = arith.minsi %select_n3A_370, %select_n3A_374 : vector<16xi32>
    %min3A_377 = arith.minsi %min3A_375, %min3A_376 : vector<16xi32>
    %iota3A_378 = tpu.iota {dimensions = array<i32: 0>} : vector<16xi32>
    %xor3A_379 = arith.constant 8 : i32
    %xor3A_380 = vector.broadcast %xor3A_379 : i32 to vector<16xi32>
    %xor3A_381 = arith.xori %iota3A_378, %xor3A_380 : vector<16xi32>
    %reshape3A_382 = vector.shape_cast %xor3A_381 : vector<16xi32> to vector<16x1xi32>
    %gather3A_383 = vector.shape_cast %reshape3A_382 : vector<16x1xi32> to vector<16xi32>
    %gather3A_384 = tpu.dynamic_gather %min3A_377[%gather3A_383] in [0] : vector<16xi32>, vector<16xi32> -> vector<16xi32>
    %min3A_385 = arith.minsi %min3A_377, %gather3A_384 : vector<16xi32>
    %xor3A_386 = arith.constant 4 : i32
    %xor3A_387 = vector.broadcast %xor3A_386 : i32 to vector<16xi32>
    %xor3A_388 = arith.xori %iota3A_378, %xor3A_387 : vector<16xi32>
    %reshape3A_389 = vector.shape_cast %xor3A_388 : vector<16xi32> to vector<16x1xi32>
    %gather3A_390 = vector.shape_cast %reshape3A_389 : vector<16x1xi32> to vector<16xi32>
    %gather3A_391 = tpu.dynamic_gather %min3A_385[%gather3A_390] in [0] : vector<16xi32>, vector<16xi32> -> vector<16xi32>
    %min3A_392 = arith.minsi %min3A_385, %gather3A_391 : vector<16xi32>
    %xor3A_393 = arith.constant 2 : i32
    %xor3A_394 = vector.broadcast %xor3A_393 : i32 to vector<16xi32>
    %xor3A_395 = arith.xori %iota3A_378, %xor3A_394 : vector<16xi32>
    %reshape3A_396 = vector.shape_cast %xor3A_395 : vector<16xi32> to vector<16x1xi32>
    %gather3A_397 = vector.shape_cast %reshape3A_396 : vector<16x1xi32> to vector<16xi32>
    %gather3A_398 = tpu.dynamic_gather %min3A_392[%gather3A_397] in [0] : vector<16xi32>, vector<16xi32> -> vector<16xi32>
    %min3A_399 = arith.minsi %min3A_392, %gather3A_398 : vector<16xi32>
    %xor3A_400 = arith.constant 1 : i32
    %xor3A_401 = vector.broadcast %xor3A_400 : i32 to vector<16xi32>
    %xor3A_402 = arith.xori %iota3A_378, %xor3A_401 : vector<16xi32>
    %reshape3A_403 = vector.shape_cast %xor3A_402 : vector<16xi32> to vector<16x1xi32>
    %gather3A_404 = vector.shape_cast %reshape3A_403 : vector<16x1xi32> to vector<16xi32>
    %gather3A_405 = tpu.dynamic_gather %min3A_399[%gather3A_404] in [0] : vector<16xi32>, vector<16xi32> -> vector<16xi32>
    %min3A_406 = arith.minsi %min3A_399, %gather3A_405 : vector<16xi32>
    %eq3A_407 = arith.constant 3 : i32
    %eq3A_408 = vector.broadcast %eq3A_407 : i32 to vector<16xi32>
    %eq3A_409 = arith.cmpi eq, %iota3A, %eq3A_408 : vector<16xi32>
    %select_n3A_410 = arith.select %eq3A_409, %max3A_358, %select_n3A_306 : vector<16xi1>, vector<16xf32>
    %eq3A_411 = arith.constant 3 : i32
    %eq3A_412 = vector.broadcast %eq3A_411 : i32 to vector<16xi32>
    %eq3A_413 = arith.cmpi eq, %iota3A, %eq3A_412 : vector<16xi32>
    %select_n3A_414 = arith.select %eq3A_413, %min3A_406, %select_n3A_310 : vector<16xi1>, vector<16xi32>
    %eq3A_415 = arith.cmpi eq, %add3A_10, %min3A_406 : vector<16xi32>
    %jit3A_416 = arith.constant -3.000000e+38 : f32
    %broadcast_in_dim3A_417 = vector.broadcast %jit3A_416 : f32 to vector<16xf32>
    %select_n3A_418 = arith.select %eq3A_415, %broadcast_in_dim3A_417, %select_n3A_314 : vector<16xi1>, vector<16xf32>
    %eq3A_419 = arith.cmpi eq, %add3A_13, %min3A_406 : vector<16xi32>
    %jit3A_420 = arith.constant -3.000000e+38 : f32
    %broadcast_in_dim3A_421 = vector.broadcast %jit3A_420 : f32 to vector<16xf32>
    %select_n3A_422 = arith.select %eq3A_419, %broadcast_in_dim3A_421, %select_n3A_318 : vector<16xi1>, vector<16xf32>
    %eq3A_423 = arith.cmpi eq, %add3A_16, %min3A_406 : vector<16xi32>
    %jit3A_424 = arith.constant -3.000000e+38 : f32
    %broadcast_in_dim3A_425 = vector.broadcast %jit3A_424 : f32 to vector<16xf32>
    %select_n3A_426 = arith.select %eq3A_423, %broadcast_in_dim3A_425, %select_n3A_322 : vector<16xi1>, vector<16xf32>
    %eq3A_427 = arith.cmpi eq, %add3A_19, %min3A_406 : vector<16xi32>
    %jit3A_428 = arith.constant -3.000000e+38 : f32
    %broadcast_in_dim3A_429 = vector.broadcast %jit3A_428 : f32 to vector<16xf32>
    %select_n3A_430 = arith.select %eq3A_427, %broadcast_in_dim3A_429, %select_n3A_326 : vector<16xi1>, vector<16xf32>
    %max3A_431 = arith.maximumf %select_n3A_418, %select_n3A_422 : vector<16xf32>
    %max3A_432 = arith.maximumf %select_n3A_426, %select_n3A_430 : vector<16xf32>
    %max3A_433 = arith.maximumf %max3A_431, %max3A_432 : vector<16xf32>
    %iota3A_434 = tpu.iota {dimensions = array<i32: 0>} : vector<16xi32>
    %xor3A_435 = arith.constant 8 : i32
    %xor3A_436 = vector.broadcast %xor3A_435 : i32 to vector<16xi32>
    %xor3A_437 = arith.xori %iota3A_434, %xor3A_436 : vector<16xi32>
    %reshape3A_438 = vector.shape_cast %xor3A_437 : vector<16xi32> to vector<16x1xi32>
    %gather3A_439 = vector.shape_cast %reshape3A_438 : vector<16x1xi32> to vector<16xi32>
    %gather3A_440 = tpu.dynamic_gather %max3A_433[%gather3A_439] in [0] : vector<16xf32>, vector<16xi32> -> vector<16xf32>
    %max3A_441 = arith.maximumf %max3A_433, %gather3A_440 : vector<16xf32>
    %xor3A_442 = arith.constant 4 : i32
    %xor3A_443 = vector.broadcast %xor3A_442 : i32 to vector<16xi32>
    %xor3A_444 = arith.xori %iota3A_434, %xor3A_443 : vector<16xi32>
    %reshape3A_445 = vector.shape_cast %xor3A_444 : vector<16xi32> to vector<16x1xi32>
    %gather3A_446 = vector.shape_cast %reshape3A_445 : vector<16x1xi32> to vector<16xi32>
    %gather3A_447 = tpu.dynamic_gather %max3A_441[%gather3A_446] in [0] : vector<16xf32>, vector<16xi32> -> vector<16xf32>
    %max3A_448 = arith.maximumf %max3A_441, %gather3A_447 : vector<16xf32>
    %xor3A_449 = arith.constant 2 : i32
    %xor3A_450 = vector.broadcast %xor3A_449 : i32 to vector<16xi32>
    %xor3A_451 = arith.xori %iota3A_434, %xor3A_450 : vector<16xi32>
    %reshape3A_452 = vector.shape_cast %xor3A_451 : vector<16xi32> to vector<16x1xi32>
    %gather3A_453 = vector.shape_cast %reshape3A_452 : vector<16x1xi32> to vector<16xi32>
    %gather3A_454 = tpu.dynamic_gather %max3A_448[%gather3A_453] in [0] : vector<16xf32>, vector<16xi32> -> vector<16xf32>
    %max3A_455 = arith.maximumf %max3A_448, %gather3A_454 : vector<16xf32>
    %xor3A_456 = arith.constant 1 : i32
    %xor3A_457 = vector.broadcast %xor3A_456 : i32 to vector<16xi32>
    %xor3A_458 = arith.xori %iota3A_434, %xor3A_457 : vector<16xi32>
    %reshape3A_459 = vector.shape_cast %xor3A_458 : vector<16xi32> to vector<16x1xi32>
    %gather3A_460 = vector.shape_cast %reshape3A_459 : vector<16x1xi32> to vector<16xi32>
    %gather3A_461 = tpu.dynamic_gather %max3A_455[%gather3A_460] in [0] : vector<16xf32>, vector<16xi32> -> vector<16xf32>
    %max3A_462 = arith.maximumf %max3A_455, %gather3A_461 : vector<16xf32>
    %eq3A_463 = arith.cmpf oeq, %select_n3A_418, %max3A_462 : vector<16xf32>
    %jit3A_464 = arith.constant 64 : i32
    %broadcast_in_dim3A_465 = vector.broadcast %jit3A_464 : i32 to vector<16xi32>
    %select_n3A_466 = arith.select %eq3A_463, %add3A_10, %broadcast_in_dim3A_465 : vector<16xi1>, vector<16xi32>
    %eq3A_467 = arith.cmpf oeq, %select_n3A_422, %max3A_462 : vector<16xf32>
    %jit3A_468 = arith.constant 64 : i32
    %broadcast_in_dim3A_469 = vector.broadcast %jit3A_468 : i32 to vector<16xi32>
    %select_n3A_470 = arith.select %eq3A_467, %add3A_13, %broadcast_in_dim3A_469 : vector<16xi1>, vector<16xi32>
    %eq3A_471 = arith.cmpf oeq, %select_n3A_426, %max3A_462 : vector<16xf32>
    %jit3A_472 = arith.constant 64 : i32
    %broadcast_in_dim3A_473 = vector.broadcast %jit3A_472 : i32 to vector<16xi32>
    %select_n3A_474 = arith.select %eq3A_471, %add3A_16, %broadcast_in_dim3A_473 : vector<16xi1>, vector<16xi32>
    %eq3A_475 = arith.cmpf oeq, %select_n3A_430, %max3A_462 : vector<16xf32>
    %jit3A_476 = arith.constant 64 : i32
    %broadcast_in_dim3A_477 = vector.broadcast %jit3A_476 : i32 to vector<16xi32>
    %select_n3A_478 = arith.select %eq3A_475, %add3A_19, %broadcast_in_dim3A_477 : vector<16xi1>, vector<16xi32>
    %min3A_479 = arith.minsi %select_n3A_466, %select_n3A_470 : vector<16xi32>
    %min3A_480 = arith.minsi %select_n3A_474, %select_n3A_478 : vector<16xi32>
    %min3A_481 = arith.minsi %min3A_479, %min3A_480 : vector<16xi32>
    %iota3A_482 = tpu.iota {dimensions = array<i32: 0>} : vector<16xi32>
    %xor3A_483 = arith.constant 8 : i32
    %xor3A_484 = vector.broadcast %xor3A_483 : i32 to vector<16xi32>
    %xor3A_485 = arith.xori %iota3A_482, %xor3A_484 : vector<16xi32>
    %reshape3A_486 = vector.shape_cast %xor3A_485 : vector<16xi32> to vector<16x1xi32>
    %gather3A_487 = vector.shape_cast %reshape3A_486 : vector<16x1xi32> to vector<16xi32>
    %gather3A_488 = tpu.dynamic_gather %min3A_481[%gather3A_487] in [0] : vector<16xi32>, vector<16xi32> -> vector<16xi32>
    %min3A_489 = arith.minsi %min3A_481, %gather3A_488 : vector<16xi32>
    %xor3A_490 = arith.constant 4 : i32
    %xor3A_491 = vector.broadcast %xor3A_490 : i32 to vector<16xi32>
    %xor3A_492 = arith.xori %iota3A_482, %xor3A_491 : vector<16xi32>
    %reshape3A_493 = vector.shape_cast %xor3A_492 : vector<16xi32> to vector<16x1xi32>
    %gather3A_494 = vector.shape_cast %reshape3A_493 : vector<16x1xi32> to vector<16xi32>
    %gather3A_495 = tpu.dynamic_gather %min3A_489[%gather3A_494] in [0] : vector<16xi32>, vector<16xi32> -> vector<16xi32>
    %min3A_496 = arith.minsi %min3A_489, %gather3A_495 : vector<16xi32>
    %xor3A_497 = arith.constant 2 : i32
    %xor3A_498 = vector.broadcast %xor3A_497 : i32 to vector<16xi32>
    %xor3A_499 = arith.xori %iota3A_482, %xor3A_498 : vector<16xi32>
    %reshape3A_500 = vector.shape_cast %xor3A_499 : vector<16xi32> to vector<16x1xi32>
    %gather3A_501 = vector.shape_cast %reshape3A_500 : vector<16x1xi32> to vector<16xi32>
    %gather3A_502 = tpu.dynamic_gather %min3A_496[%gather3A_501] in [0] : vector<16xi32>, vector<16xi32> -> vector<16xi32>
    %min3A_503 = arith.minsi %min3A_496, %gather3A_502 : vector<16xi32>
    %xor3A_504 = arith.constant 1 : i32
    %xor3A_505 = vector.broadcast %xor3A_504 : i32 to vector<16xi32>
    %xor3A_506 = arith.xori %iota3A_482, %xor3A_505 : vector<16xi32>
    %reshape3A_507 = vector.shape_cast %xor3A_506 : vector<16xi32> to vector<16x1xi32>
    %gather3A_508 = vector.shape_cast %reshape3A_507 : vector<16x1xi32> to vector<16xi32>
    %gather3A_509 = tpu.dynamic_gather %min3A_503[%gather3A_508] in [0] : vector<16xi32>, vector<16xi32> -> vector<16xi32>
    %min3A_510 = arith.minsi %min3A_503, %gather3A_509 : vector<16xi32>
    %eq3A_511 = arith.constant 4 : i32
    %eq3A_512 = vector.broadcast %eq3A_511 : i32 to vector<16xi32>
    %eq3A_513 = arith.cmpi eq, %iota3A, %eq3A_512 : vector<16xi32>
    %select_n3A_514 = arith.select %eq3A_513, %max3A_462, %select_n3A_410 : vector<16xi1>, vector<16xf32>
    %eq3A_515 = arith.constant 4 : i32
    %eq3A_516 = vector.broadcast %eq3A_515 : i32 to vector<16xi32>
    %eq3A_517 = arith.cmpi eq, %iota3A, %eq3A_516 : vector<16xi32>
    %select_n3A_518 = arith.select %eq3A_517, %min3A_510, %select_n3A_414 : vector<16xi1>, vector<16xi32>
    %eq3A_519 = arith.cmpi eq, %add3A_10, %min3A_510 : vector<16xi32>
    %jit3A_520 = arith.constant -3.000000e+38 : f32
    %broadcast_in_dim3A_521 = vector.broadcast %jit3A_520 : f32 to vector<16xf32>
    %select_n3A_522 = arith.select %eq3A_519, %broadcast_in_dim3A_521, %select_n3A_418 : vector<16xi1>, vector<16xf32>
    %eq3A_523 = arith.cmpi eq, %add3A_13, %min3A_510 : vector<16xi32>
    %jit3A_524 = arith.constant -3.000000e+38 : f32
    %broadcast_in_dim3A_525 = vector.broadcast %jit3A_524 : f32 to vector<16xf32>
    %select_n3A_526 = arith.select %eq3A_523, %broadcast_in_dim3A_525, %select_n3A_422 : vector<16xi1>, vector<16xf32>
    %eq3A_527 = arith.cmpi eq, %add3A_16, %min3A_510 : vector<16xi32>
    %jit3A_528 = arith.constant -3.000000e+38 : f32
    %broadcast_in_dim3A_529 = vector.broadcast %jit3A_528 : f32 to vector<16xf32>
    %select_n3A_530 = arith.select %eq3A_527, %broadcast_in_dim3A_529, %select_n3A_426 : vector<16xi1>, vector<16xf32>
    %eq3A_531 = arith.cmpi eq, %add3A_19, %min3A_510 : vector<16xi32>
    %jit3A_532 = arith.constant -3.000000e+38 : f32
    %broadcast_in_dim3A_533 = vector.broadcast %jit3A_532 : f32 to vector<16xf32>
    %select_n3A_534 = arith.select %eq3A_531, %broadcast_in_dim3A_533, %select_n3A_430 : vector<16xi1>, vector<16xf32>
    %max3A_535 = arith.maximumf %select_n3A_522, %select_n3A_526 : vector<16xf32>
    %max3A_536 = arith.maximumf %select_n3A_530, %select_n3A_534 : vector<16xf32>
    %max3A_537 = arith.maximumf %max3A_535, %max3A_536 : vector<16xf32>
    %iota3A_538 = tpu.iota {dimensions = array<i32: 0>} : vector<16xi32>
    %xor3A_539 = arith.constant 8 : i32
    %xor3A_540 = vector.broadcast %xor3A_539 : i32 to vector<16xi32>
    %xor3A_541 = arith.xori %iota3A_538, %xor3A_540 : vector<16xi32>
    %reshape3A_542 = vector.shape_cast %xor3A_541 : vector<16xi32> to vector<16x1xi32>
    %gather3A_543 = vector.shape_cast %reshape3A_542 : vector<16x1xi32> to vector<16xi32>
    %gather3A_544 = tpu.dynamic_gather %max3A_537[%gather3A_543] in [0] : vector<16xf32>, vector<16xi32> -> vector<16xf32>
    %max3A_545 = arith.maximumf %max3A_537, %gather3A_544 : vector<16xf32>
    %xor3A_546 = arith.constant 4 : i32
    %xor3A_547 = vector.broadcast %xor3A_546 : i32 to vector<16xi32>
    %xor3A_548 = arith.xori %iota3A_538, %xor3A_547 : vector<16xi32>
    %reshape3A_549 = vector.shape_cast %xor3A_548 : vector<16xi32> to vector<16x1xi32>
    %gather3A_550 = vector.shape_cast %reshape3A_549 : vector<16x1xi32> to vector<16xi32>
    %gather3A_551 = tpu.dynamic_gather %max3A_545[%gather3A_550] in [0] : vector<16xf32>, vector<16xi32> -> vector<16xf32>
    %max3A_552 = arith.maximumf %max3A_545, %gather3A_551 : vector<16xf32>
    %xor3A_553 = arith.constant 2 : i32
    %xor3A_554 = vector.broadcast %xor3A_553 : i32 to vector<16xi32>
    %xor3A_555 = arith.xori %iota3A_538, %xor3A_554 : vector<16xi32>
    %reshape3A_556 = vector.shape_cast %xor3A_555 : vector<16xi32> to vector<16x1xi32>
    %gather3A_557 = vector.shape_cast %reshape3A_556 : vector<16x1xi32> to vector<16xi32>
    %gather3A_558 = tpu.dynamic_gather %max3A_552[%gather3A_557] in [0] : vector<16xf32>, vector<16xi32> -> vector<16xf32>
    %max3A_559 = arith.maximumf %max3A_552, %gather3A_558 : vector<16xf32>
    %xor3A_560 = arith.constant 1 : i32
    %xor3A_561 = vector.broadcast %xor3A_560 : i32 to vector<16xi32>
    %xor3A_562 = arith.xori %iota3A_538, %xor3A_561 : vector<16xi32>
    %reshape3A_563 = vector.shape_cast %xor3A_562 : vector<16xi32> to vector<16x1xi32>
    %gather3A_564 = vector.shape_cast %reshape3A_563 : vector<16x1xi32> to vector<16xi32>
    %gather3A_565 = tpu.dynamic_gather %max3A_559[%gather3A_564] in [0] : vector<16xf32>, vector<16xi32> -> vector<16xf32>
    %max3A_566 = arith.maximumf %max3A_559, %gather3A_565 : vector<16xf32>
    %eq3A_567 = arith.cmpf oeq, %select_n3A_522, %max3A_566 : vector<16xf32>
    %jit3A_568 = arith.constant 64 : i32
    %broadcast_in_dim3A_569 = vector.broadcast %jit3A_568 : i32 to vector<16xi32>
    %select_n3A_570 = arith.select %eq3A_567, %add3A_10, %broadcast_in_dim3A_569 : vector<16xi1>, vector<16xi32>
    %eq3A_571 = arith.cmpf oeq, %select_n3A_526, %max3A_566 : vector<16xf32>
    %jit3A_572 = arith.constant 64 : i32
    %broadcast_in_dim3A_573 = vector.broadcast %jit3A_572 : i32 to vector<16xi32>
    %select_n3A_574 = arith.select %eq3A_571, %add3A_13, %broadcast_in_dim3A_573 : vector<16xi1>, vector<16xi32>
    %eq3A_575 = arith.cmpf oeq, %select_n3A_530, %max3A_566 : vector<16xf32>
    %jit3A_576 = arith.constant 64 : i32
    %broadcast_in_dim3A_577 = vector.broadcast %jit3A_576 : i32 to vector<16xi32>
    %select_n3A_578 = arith.select %eq3A_575, %add3A_16, %broadcast_in_dim3A_577 : vector<16xi1>, vector<16xi32>
    %eq3A_579 = arith.cmpf oeq, %select_n3A_534, %max3A_566 : vector<16xf32>
    %jit3A_580 = arith.constant 64 : i32
    %broadcast_in_dim3A_581 = vector.broadcast %jit3A_580 : i32 to vector<16xi32>
    %select_n3A_582 = arith.select %eq3A_579, %add3A_19, %broadcast_in_dim3A_581 : vector<16xi1>, vector<16xi32>
    %min3A_583 = arith.minsi %select_n3A_570, %select_n3A_574 : vector<16xi32>
    %min3A_584 = arith.minsi %select_n3A_578, %select_n3A_582 : vector<16xi32>
    %min3A_585 = arith.minsi %min3A_583, %min3A_584 : vector<16xi32>
    %iota3A_586 = tpu.iota {dimensions = array<i32: 0>} : vector<16xi32>
    %xor3A_587 = arith.constant 8 : i32
    %xor3A_588 = vector.broadcast %xor3A_587 : i32 to vector<16xi32>
    %xor3A_589 = arith.xori %iota3A_586, %xor3A_588 : vector<16xi32>
    %reshape3A_590 = vector.shape_cast %xor3A_589 : vector<16xi32> to vector<16x1xi32>
    %gather3A_591 = vector.shape_cast %reshape3A_590 : vector<16x1xi32> to vector<16xi32>
    %gather3A_592 = tpu.dynamic_gather %min3A_585[%gather3A_591] in [0] : vector<16xi32>, vector<16xi32> -> vector<16xi32>
    %min3A_593 = arith.minsi %min3A_585, %gather3A_592 : vector<16xi32>
    %xor3A_594 = arith.constant 4 : i32
    %xor3A_595 = vector.broadcast %xor3A_594 : i32 to vector<16xi32>
    %xor3A_596 = arith.xori %iota3A_586, %xor3A_595 : vector<16xi32>
    %reshape3A_597 = vector.shape_cast %xor3A_596 : vector<16xi32> to vector<16x1xi32>
    %gather3A_598 = vector.shape_cast %reshape3A_597 : vector<16x1xi32> to vector<16xi32>
    %gather3A_599 = tpu.dynamic_gather %min3A_593[%gather3A_598] in [0] : vector<16xi32>, vector<16xi32> -> vector<16xi32>
    %min3A_600 = arith.minsi %min3A_593, %gather3A_599 : vector<16xi32>
    %xor3A_601 = arith.constant 2 : i32
    %xor3A_602 = vector.broadcast %xor3A_601 : i32 to vector<16xi32>
    %xor3A_603 = arith.xori %iota3A_586, %xor3A_602 : vector<16xi32>
    %reshape3A_604 = vector.shape_cast %xor3A_603 : vector<16xi32> to vector<16x1xi32>
    %gather3A_605 = vector.shape_cast %reshape3A_604 : vector<16x1xi32> to vector<16xi32>
    %gather3A_606 = tpu.dynamic_gather %min3A_600[%gather3A_605] in [0] : vector<16xi32>, vector<16xi32> -> vector<16xi32>
    %min3A_607 = arith.minsi %min3A_600, %gather3A_606 : vector<16xi32>
    %xor3A_608 = arith.constant 1 : i32
    %xor3A_609 = vector.broadcast %xor3A_608 : i32 to vector<16xi32>
    %xor3A_610 = arith.xori %iota3A_586, %xor3A_609 : vector<16xi32>
    %reshape3A_611 = vector.shape_cast %xor3A_610 : vector<16xi32> to vector<16x1xi32>
    %gather3A_612 = vector.shape_cast %reshape3A_611 : vector<16x1xi32> to vector<16xi32>
    %gather3A_613 = tpu.dynamic_gather %min3A_607[%gather3A_612] in [0] : vector<16xi32>, vector<16xi32> -> vector<16xi32>
    %min3A_614 = arith.minsi %min3A_607, %gather3A_613 : vector<16xi32>
    %eq3A_615 = arith.constant 5 : i32
    %eq3A_616 = vector.broadcast %eq3A_615 : i32 to vector<16xi32>
    %eq3A_617 = arith.cmpi eq, %iota3A, %eq3A_616 : vector<16xi32>
    %select_n3A_618 = arith.select %eq3A_617, %max3A_566, %select_n3A_514 : vector<16xi1>, vector<16xf32>
    %eq3A_619 = arith.constant 5 : i32
    %eq3A_620 = vector.broadcast %eq3A_619 : i32 to vector<16xi32>
    %eq3A_621 = arith.cmpi eq, %iota3A, %eq3A_620 : vector<16xi32>
    %select_n3A_622 = arith.select %eq3A_621, %min3A_614, %select_n3A_518 : vector<16xi1>, vector<16xi32>
    %eq3A_623 = arith.cmpi eq, %add3A_10, %min3A_614 : vector<16xi32>
    %jit3A_624 = arith.constant -3.000000e+38 : f32
    %broadcast_in_dim3A_625 = vector.broadcast %jit3A_624 : f32 to vector<16xf32>
    %select_n3A_626 = arith.select %eq3A_623, %broadcast_in_dim3A_625, %select_n3A_522 : vector<16xi1>, vector<16xf32>
    %eq3A_627 = arith.cmpi eq, %add3A_13, %min3A_614 : vector<16xi32>
    %jit3A_628 = arith.constant -3.000000e+38 : f32
    %broadcast_in_dim3A_629 = vector.broadcast %jit3A_628 : f32 to vector<16xf32>
    %select_n3A_630 = arith.select %eq3A_627, %broadcast_in_dim3A_629, %select_n3A_526 : vector<16xi1>, vector<16xf32>
    %eq3A_631 = arith.cmpi eq, %add3A_16, %min3A_614 : vector<16xi32>
    %jit3A_632 = arith.constant -3.000000e+38 : f32
    %broadcast_in_dim3A_633 = vector.broadcast %jit3A_632 : f32 to vector<16xf32>
    %select_n3A_634 = arith.select %eq3A_631, %broadcast_in_dim3A_633, %select_n3A_530 : vector<16xi1>, vector<16xf32>
    %eq3A_635 = arith.cmpi eq, %add3A_19, %min3A_614 : vector<16xi32>
    %jit3A_636 = arith.constant -3.000000e+38 : f32
    %broadcast_in_dim3A_637 = vector.broadcast %jit3A_636 : f32 to vector<16xf32>
    %select_n3A_638 = arith.select %eq3A_635, %broadcast_in_dim3A_637, %select_n3A_534 : vector<16xi1>, vector<16xf32>
    %max3A_639 = arith.maximumf %select_n3A_626, %select_n3A_630 : vector<16xf32>
    %max3A_640 = arith.maximumf %select_n3A_634, %select_n3A_638 : vector<16xf32>
    %max3A_641 = arith.maximumf %max3A_639, %max3A_640 : vector<16xf32>
    %iota3A_642 = tpu.iota {dimensions = array<i32: 0>} : vector<16xi32>
    %xor3A_643 = arith.constant 8 : i32
    %xor3A_644 = vector.broadcast %xor3A_643 : i32 to vector<16xi32>
    %xor3A_645 = arith.xori %iota3A_642, %xor3A_644 : vector<16xi32>
    %reshape3A_646 = vector.shape_cast %xor3A_645 : vector<16xi32> to vector<16x1xi32>
    %gather3A_647 = vector.shape_cast %reshape3A_646 : vector<16x1xi32> to vector<16xi32>
    %gather3A_648 = tpu.dynamic_gather %max3A_641[%gather3A_647] in [0] : vector<16xf32>, vector<16xi32> -> vector<16xf32>
    %max3A_649 = arith.maximumf %max3A_641, %gather3A_648 : vector<16xf32>
    %xor3A_650 = arith.constant 4 : i32
    %xor3A_651 = vector.broadcast %xor3A_650 : i32 to vector<16xi32>
    %xor3A_652 = arith.xori %iota3A_642, %xor3A_651 : vector<16xi32>
    %reshape3A_653 = vector.shape_cast %xor3A_652 : vector<16xi32> to vector<16x1xi32>
    %gather3A_654 = vector.shape_cast %reshape3A_653 : vector<16x1xi32> to vector<16xi32>
    %gather3A_655 = tpu.dynamic_gather %max3A_649[%gather3A_654] in [0] : vector<16xf32>, vector<16xi32> -> vector<16xf32>
    %max3A_656 = arith.maximumf %max3A_649, %gather3A_655 : vector<16xf32>
    %xor3A_657 = arith.constant 2 : i32
    %xor3A_658 = vector.broadcast %xor3A_657 : i32 to vector<16xi32>
    %xor3A_659 = arith.xori %iota3A_642, %xor3A_658 : vector<16xi32>
    %reshape3A_660 = vector.shape_cast %xor3A_659 : vector<16xi32> to vector<16x1xi32>
    %gather3A_661 = vector.shape_cast %reshape3A_660 : vector<16x1xi32> to vector<16xi32>
    %gather3A_662 = tpu.dynamic_gather %max3A_656[%gather3A_661] in [0] : vector<16xf32>, vector<16xi32> -> vector<16xf32>
    %max3A_663 = arith.maximumf %max3A_656, %gather3A_662 : vector<16xf32>
    %xor3A_664 = arith.constant 1 : i32
    %xor3A_665 = vector.broadcast %xor3A_664 : i32 to vector<16xi32>
    %xor3A_666 = arith.xori %iota3A_642, %xor3A_665 : vector<16xi32>
    %reshape3A_667 = vector.shape_cast %xor3A_666 : vector<16xi32> to vector<16x1xi32>
    %gather3A_668 = vector.shape_cast %reshape3A_667 : vector<16x1xi32> to vector<16xi32>
    %gather3A_669 = tpu.dynamic_gather %max3A_663[%gather3A_668] in [0] : vector<16xf32>, vector<16xi32> -> vector<16xf32>
    %max3A_670 = arith.maximumf %max3A_663, %gather3A_669 : vector<16xf32>
    %eq3A_671 = arith.cmpf oeq, %select_n3A_626, %max3A_670 : vector<16xf32>
    %jit3A_672 = arith.constant 64 : i32
    %broadcast_in_dim3A_673 = vector.broadcast %jit3A_672 : i32 to vector<16xi32>
    %select_n3A_674 = arith.select %eq3A_671, %add3A_10, %broadcast_in_dim3A_673 : vector<16xi1>, vector<16xi32>
    %eq3A_675 = arith.cmpf oeq, %select_n3A_630, %max3A_670 : vector<16xf32>
    %jit3A_676 = arith.constant 64 : i32
    %broadcast_in_dim3A_677 = vector.broadcast %jit3A_676 : i32 to vector<16xi32>
    %select_n3A_678 = arith.select %eq3A_675, %add3A_13, %broadcast_in_dim3A_677 : vector<16xi1>, vector<16xi32>
    %eq3A_679 = arith.cmpf oeq, %select_n3A_634, %max3A_670 : vector<16xf32>
    %jit3A_680 = arith.constant 64 : i32
    %broadcast_in_dim3A_681 = vector.broadcast %jit3A_680 : i32 to vector<16xi32>
    %select_n3A_682 = arith.select %eq3A_679, %add3A_16, %broadcast_in_dim3A_681 : vector<16xi1>, vector<16xi32>
    %eq3A_683 = arith.cmpf oeq, %select_n3A_638, %max3A_670 : vector<16xf32>
    %jit3A_684 = arith.constant 64 : i32
    %broadcast_in_dim3A_685 = vector.broadcast %jit3A_684 : i32 to vector<16xi32>
    %select_n3A_686 = arith.select %eq3A_683, %add3A_19, %broadcast_in_dim3A_685 : vector<16xi1>, vector<16xi32>
    %min3A_687 = arith.minsi %select_n3A_674, %select_n3A_678 : vector<16xi32>
    %min3A_688 = arith.minsi %select_n3A_682, %select_n3A_686 : vector<16xi32>
    %min3A_689 = arith.minsi %min3A_687, %min3A_688 : vector<16xi32>
    %iota3A_690 = tpu.iota {dimensions = array<i32: 0>} : vector<16xi32>
    %xor3A_691 = arith.constant 8 : i32
    %xor3A_692 = vector.broadcast %xor3A_691 : i32 to vector<16xi32>
    %xor3A_693 = arith.xori %iota3A_690, %xor3A_692 : vector<16xi32>
    %reshape3A_694 = vector.shape_cast %xor3A_693 : vector<16xi32> to vector<16x1xi32>
    %gather3A_695 = vector.shape_cast %reshape3A_694 : vector<16x1xi32> to vector<16xi32>
    %gather3A_696 = tpu.dynamic_gather %min3A_689[%gather3A_695] in [0] : vector<16xi32>, vector<16xi32> -> vector<16xi32>
    %min3A_697 = arith.minsi %min3A_689, %gather3A_696 : vector<16xi32>
    %xor3A_698 = arith.constant 4 : i32
    %xor3A_699 = vector.broadcast %xor3A_698 : i32 to vector<16xi32>
    %xor3A_700 = arith.xori %iota3A_690, %xor3A_699 : vector<16xi32>
    %reshape3A_701 = vector.shape_cast %xor3A_700 : vector<16xi32> to vector<16x1xi32>
    %gather3A_702 = vector.shape_cast %reshape3A_701 : vector<16x1xi32> to vector<16xi32>
    %gather3A_703 = tpu.dynamic_gather %min3A_697[%gather3A_702] in [0] : vector<16xi32>, vector<16xi32> -> vector<16xi32>
    %min3A_704 = arith.minsi %min3A_697, %gather3A_703 : vector<16xi32>
    %xor3A_705 = arith.constant 2 : i32
    %xor3A_706 = vector.broadcast %xor3A_705 : i32 to vector<16xi32>
    %xor3A_707 = arith.xori %iota3A_690, %xor3A_706 : vector<16xi32>
    %reshape3A_708 = vector.shape_cast %xor3A_707 : vector<16xi32> to vector<16x1xi32>
    %gather3A_709 = vector.shape_cast %reshape3A_708 : vector<16x1xi32> to vector<16xi32>
    %gather3A_710 = tpu.dynamic_gather %min3A_704[%gather3A_709] in [0] : vector<16xi32>, vector<16xi32> -> vector<16xi32>
    %min3A_711 = arith.minsi %min3A_704, %gather3A_710 : vector<16xi32>
    %xor3A_712 = arith.constant 1 : i32
    %xor3A_713 = vector.broadcast %xor3A_712 : i32 to vector<16xi32>
    %xor3A_714 = arith.xori %iota3A_690, %xor3A_713 : vector<16xi32>
    %reshape3A_715 = vector.shape_cast %xor3A_714 : vector<16xi32> to vector<16x1xi32>
    %gather3A_716 = vector.shape_cast %reshape3A_715 : vector<16x1xi32> to vector<16xi32>
    %gather3A_717 = tpu.dynamic_gather %min3A_711[%gather3A_716] in [0] : vector<16xi32>, vector<16xi32> -> vector<16xi32>
    %min3A_718 = arith.minsi %min3A_711, %gather3A_717 : vector<16xi32>
    %eq3A_719 = arith.constant 6 : i32
    %eq3A_720 = vector.broadcast %eq3A_719 : i32 to vector<16xi32>
    %eq3A_721 = arith.cmpi eq, %iota3A, %eq3A_720 : vector<16xi32>
    %select_n3A_722 = arith.select %eq3A_721, %max3A_670, %select_n3A_618 : vector<16xi1>, vector<16xf32>
    %eq3A_723 = arith.constant 6 : i32
    %eq3A_724 = vector.broadcast %eq3A_723 : i32 to vector<16xi32>
    %eq3A_725 = arith.cmpi eq, %iota3A, %eq3A_724 : vector<16xi32>
    %select_n3A_726 = arith.select %eq3A_725, %min3A_718, %select_n3A_622 : vector<16xi1>, vector<16xi32>
    %eq3A_727 = arith.cmpi eq, %add3A_10, %min3A_718 : vector<16xi32>
    %jit3A_728 = arith.constant -3.000000e+38 : f32
    %broadcast_in_dim3A_729 = vector.broadcast %jit3A_728 : f32 to vector<16xf32>
    %select_n3A_730 = arith.select %eq3A_727, %broadcast_in_dim3A_729, %select_n3A_626 : vector<16xi1>, vector<16xf32>
    %eq3A_731 = arith.cmpi eq, %add3A_13, %min3A_718 : vector<16xi32>
    %jit3A_732 = arith.constant -3.000000e+38 : f32
    %broadcast_in_dim3A_733 = vector.broadcast %jit3A_732 : f32 to vector<16xf32>
    %select_n3A_734 = arith.select %eq3A_731, %broadcast_in_dim3A_733, %select_n3A_630 : vector<16xi1>, vector<16xf32>
    %eq3A_735 = arith.cmpi eq, %add3A_16, %min3A_718 : vector<16xi32>
    %jit3A_736 = arith.constant -3.000000e+38 : f32
    %broadcast_in_dim3A_737 = vector.broadcast %jit3A_736 : f32 to vector<16xf32>
    %select_n3A_738 = arith.select %eq3A_735, %broadcast_in_dim3A_737, %select_n3A_634 : vector<16xi1>, vector<16xf32>
    %eq3A_739 = arith.cmpi eq, %add3A_19, %min3A_718 : vector<16xi32>
    %jit3A_740 = arith.constant -3.000000e+38 : f32
    %broadcast_in_dim3A_741 = vector.broadcast %jit3A_740 : f32 to vector<16xf32>
    %select_n3A_742 = arith.select %eq3A_739, %broadcast_in_dim3A_741, %select_n3A_638 : vector<16xi1>, vector<16xf32>
    %max3A_743 = arith.maximumf %select_n3A_730, %select_n3A_734 : vector<16xf32>
    %max3A_744 = arith.maximumf %select_n3A_738, %select_n3A_742 : vector<16xf32>
    %max3A_745 = arith.maximumf %max3A_743, %max3A_744 : vector<16xf32>
    %iota3A_746 = tpu.iota {dimensions = array<i32: 0>} : vector<16xi32>
    %xor3A_747 = arith.constant 8 : i32
    %xor3A_748 = vector.broadcast %xor3A_747 : i32 to vector<16xi32>
    %xor3A_749 = arith.xori %iota3A_746, %xor3A_748 : vector<16xi32>
    %reshape3A_750 = vector.shape_cast %xor3A_749 : vector<16xi32> to vector<16x1xi32>
    %gather3A_751 = vector.shape_cast %reshape3A_750 : vector<16x1xi32> to vector<16xi32>
    %gather3A_752 = tpu.dynamic_gather %max3A_745[%gather3A_751] in [0] : vector<16xf32>, vector<16xi32> -> vector<16xf32>
    %max3A_753 = arith.maximumf %max3A_745, %gather3A_752 : vector<16xf32>
    %xor3A_754 = arith.constant 4 : i32
    %xor3A_755 = vector.broadcast %xor3A_754 : i32 to vector<16xi32>
    %xor3A_756 = arith.xori %iota3A_746, %xor3A_755 : vector<16xi32>
    %reshape3A_757 = vector.shape_cast %xor3A_756 : vector<16xi32> to vector<16x1xi32>
    %gather3A_758 = vector.shape_cast %reshape3A_757 : vector<16x1xi32> to vector<16xi32>
    %gather3A_759 = tpu.dynamic_gather %max3A_753[%gather3A_758] in [0] : vector<16xf32>, vector<16xi32> -> vector<16xf32>
    %max3A_760 = arith.maximumf %max3A_753, %gather3A_759 : vector<16xf32>
    %xor3A_761 = arith.constant 2 : i32
    %xor3A_762 = vector.broadcast %xor3A_761 : i32 to vector<16xi32>
    %xor3A_763 = arith.xori %iota3A_746, %xor3A_762 : vector<16xi32>
    %reshape3A_764 = vector.shape_cast %xor3A_763 : vector<16xi32> to vector<16x1xi32>
    %gather3A_765 = vector.shape_cast %reshape3A_764 : vector<16x1xi32> to vector<16xi32>
    %gather3A_766 = tpu.dynamic_gather %max3A_760[%gather3A_765] in [0] : vector<16xf32>, vector<16xi32> -> vector<16xf32>
    %max3A_767 = arith.maximumf %max3A_760, %gather3A_766 : vector<16xf32>
    %xor3A_768 = arith.constant 1 : i32
    %xor3A_769 = vector.broadcast %xor3A_768 : i32 to vector<16xi32>
    %xor3A_770 = arith.xori %iota3A_746, %xor3A_769 : vector<16xi32>
    %reshape3A_771 = vector.shape_cast %xor3A_770 : vector<16xi32> to vector<16x1xi32>
    %gather3A_772 = vector.shape_cast %reshape3A_771 : vector<16x1xi32> to vector<16xi32>
    %gather3A_773 = tpu.dynamic_gather %max3A_767[%gather3A_772] in [0] : vector<16xf32>, vector<16xi32> -> vector<16xf32>
    %max3A_774 = arith.maximumf %max3A_767, %gather3A_773 : vector<16xf32>
    %eq3A_775 = arith.cmpf oeq, %select_n3A_730, %max3A_774 : vector<16xf32>
    %jit3A_776 = arith.constant 64 : i32
    %broadcast_in_dim3A_777 = vector.broadcast %jit3A_776 : i32 to vector<16xi32>
    %select_n3A_778 = arith.select %eq3A_775, %add3A_10, %broadcast_in_dim3A_777 : vector<16xi1>, vector<16xi32>
    %eq3A_779 = arith.cmpf oeq, %select_n3A_734, %max3A_774 : vector<16xf32>
    %jit3A_780 = arith.constant 64 : i32
    %broadcast_in_dim3A_781 = vector.broadcast %jit3A_780 : i32 to vector<16xi32>
    %select_n3A_782 = arith.select %eq3A_779, %add3A_13, %broadcast_in_dim3A_781 : vector<16xi1>, vector<16xi32>
    %eq3A_783 = arith.cmpf oeq, %select_n3A_738, %max3A_774 : vector<16xf32>
    %jit3A_784 = arith.constant 64 : i32
    %broadcast_in_dim3A_785 = vector.broadcast %jit3A_784 : i32 to vector<16xi32>
    %select_n3A_786 = arith.select %eq3A_783, %add3A_16, %broadcast_in_dim3A_785 : vector<16xi1>, vector<16xi32>
    %eq3A_787 = arith.cmpf oeq, %select_n3A_742, %max3A_774 : vector<16xf32>
    %jit3A_788 = arith.constant 64 : i32
    %broadcast_in_dim3A_789 = vector.broadcast %jit3A_788 : i32 to vector<16xi32>
    %select_n3A_790 = arith.select %eq3A_787, %add3A_19, %broadcast_in_dim3A_789 : vector<16xi1>, vector<16xi32>
    %min3A_791 = arith.minsi %select_n3A_778, %select_n3A_782 : vector<16xi32>
    %min3A_792 = arith.minsi %select_n3A_786, %select_n3A_790 : vector<16xi32>
    %min3A_793 = arith.minsi %min3A_791, %min3A_792 : vector<16xi32>
    %iota3A_794 = tpu.iota {dimensions = array<i32: 0>} : vector<16xi32>
    %xor3A_795 = arith.constant 8 : i32
    %xor3A_796 = vector.broadcast %xor3A_795 : i32 to vector<16xi32>
    %xor3A_797 = arith.xori %iota3A_794, %xor3A_796 : vector<16xi32>
    %reshape3A_798 = vector.shape_cast %xor3A_797 : vector<16xi32> to vector<16x1xi32>
    %gather3A_799 = vector.shape_cast %reshape3A_798 : vector<16x1xi32> to vector<16xi32>
    %gather3A_800 = tpu.dynamic_gather %min3A_793[%gather3A_799] in [0] : vector<16xi32>, vector<16xi32> -> vector<16xi32>
    %min3A_801 = arith.minsi %min3A_793, %gather3A_800 : vector<16xi32>
    %xor3A_802 = arith.constant 4 : i32
    %xor3A_803 = vector.broadcast %xor3A_802 : i32 to vector<16xi32>
    %xor3A_804 = arith.xori %iota3A_794, %xor3A_803 : vector<16xi32>
    %reshape3A_805 = vector.shape_cast %xor3A_804 : vector<16xi32> to vector<16x1xi32>
    %gather3A_806 = vector.shape_cast %reshape3A_805 : vector<16x1xi32> to vector<16xi32>
    %gather3A_807 = tpu.dynamic_gather %min3A_801[%gather3A_806] in [0] : vector<16xi32>, vector<16xi32> -> vector<16xi32>
    %min3A_808 = arith.minsi %min3A_801, %gather3A_807 : vector<16xi32>
    %xor3A_809 = arith.constant 2 : i32
    %xor3A_810 = vector.broadcast %xor3A_809 : i32 to vector<16xi32>
    %xor3A_811 = arith.xori %iota3A_794, %xor3A_810 : vector<16xi32>
    %reshape3A_812 = vector.shape_cast %xor3A_811 : vector<16xi32> to vector<16x1xi32>
    %gather3A_813 = vector.shape_cast %reshape3A_812 : vector<16x1xi32> to vector<16xi32>
    %gather3A_814 = tpu.dynamic_gather %min3A_808[%gather3A_813] in [0] : vector<16xi32>, vector<16xi32> -> vector<16xi32>
    %min3A_815 = arith.minsi %min3A_808, %gather3A_814 : vector<16xi32>
    %xor3A_816 = arith.constant 1 : i32
    %xor3A_817 = vector.broadcast %xor3A_816 : i32 to vector<16xi32>
    %xor3A_818 = arith.xori %iota3A_794, %xor3A_817 : vector<16xi32>
    %reshape3A_819 = vector.shape_cast %xor3A_818 : vector<16xi32> to vector<16x1xi32>
    %gather3A_820 = vector.shape_cast %reshape3A_819 : vector<16x1xi32> to vector<16xi32>
    %gather3A_821 = tpu.dynamic_gather %min3A_815[%gather3A_820] in [0] : vector<16xi32>, vector<16xi32> -> vector<16xi32>
    %min3A_822 = arith.minsi %min3A_815, %gather3A_821 : vector<16xi32>
    %eq3A_823 = arith.constant 7 : i32
    %eq3A_824 = vector.broadcast %eq3A_823 : i32 to vector<16xi32>
    %eq3A_825 = arith.cmpi eq, %iota3A, %eq3A_824 : vector<16xi32>
    %select_n3A_826 = arith.select %eq3A_825, %max3A_774, %select_n3A_722 : vector<16xi1>, vector<16xf32>
    %eq3A_827 = arith.constant 7 : i32
    %eq3A_828 = vector.broadcast %eq3A_827 : i32 to vector<16xi32>
    %eq3A_829 = arith.cmpi eq, %iota3A, %eq3A_828 : vector<16xi32>
    %select_n3A_830 = arith.select %eq3A_829, %min3A_822, %select_n3A_726 : vector<16xi1>, vector<16xi32>
    %eq3A_831 = arith.cmpi eq, %add3A_10, %min3A_822 : vector<16xi32>
    %jit3A_832 = arith.constant -3.000000e+38 : f32
    %broadcast_in_dim3A_833 = vector.broadcast %jit3A_832 : f32 to vector<16xf32>
    %select_n3A_834 = arith.select %eq3A_831, %broadcast_in_dim3A_833, %select_n3A_730 : vector<16xi1>, vector<16xf32>
    %eq3A_835 = arith.cmpi eq, %add3A_13, %min3A_822 : vector<16xi32>
    %jit3A_836 = arith.constant -3.000000e+38 : f32
    %broadcast_in_dim3A_837 = vector.broadcast %jit3A_836 : f32 to vector<16xf32>
    %select_n3A_838 = arith.select %eq3A_835, %broadcast_in_dim3A_837, %select_n3A_734 : vector<16xi1>, vector<16xf32>
    %eq3A_839 = arith.cmpi eq, %add3A_16, %min3A_822 : vector<16xi32>
    %jit3A_840 = arith.constant -3.000000e+38 : f32
    %broadcast_in_dim3A_841 = vector.broadcast %jit3A_840 : f32 to vector<16xf32>
    %select_n3A_842 = arith.select %eq3A_839, %broadcast_in_dim3A_841, %select_n3A_738 : vector<16xi1>, vector<16xf32>
    %eq3A_843 = arith.cmpi eq, %add3A_19, %min3A_822 : vector<16xi32>
    %jit3A_844 = arith.constant -3.000000e+38 : f32
    %broadcast_in_dim3A_845 = vector.broadcast %jit3A_844 : f32 to vector<16xf32>
    %select_n3A_846 = arith.select %eq3A_843, %broadcast_in_dim3A_845, %select_n3A_742 : vector<16xi1>, vector<16xf32>
    %lt3A = arith.constant 8 : i32
    %lt3A_847 = vector.broadcast %lt3A : i32 to vector<16xi32>
    %lt3A_848 = arith.cmpi slt, %iota3A, %lt3A_847 : vector<16xi32>
    %sub3A = arith.subf %select_n3A_826, %max3A_50 : vector<16xf32>
    %exp3A = math.exp %sub3A : vector<16xf32>
    %jit3A_849 = arith.constant 0.000000e+00 : f32
    %broadcast_in_dim3A_850 = vector.broadcast %jit3A_849 : f32 to vector<16xf32>
    %select_n3A_851 = arith.select %lt3A_848, %exp3A, %broadcast_in_dim3A_850 : vector<16xi1>, vector<16xf32>
    %iota3A_852 = tpu.iota {dimensions = array<i32: 0>} : vector<16xi32>
    %xor3A_853 = arith.constant 8 : i32
    %xor3A_854 = vector.broadcast %xor3A_853 : i32 to vector<16xi32>
    %xor3A_855 = arith.xori %iota3A_852, %xor3A_854 : vector<16xi32>
    %reshape3A_856 = vector.shape_cast %xor3A_855 : vector<16xi32> to vector<16x1xi32>
    %gather3A_857 = vector.shape_cast %reshape3A_856 : vector<16x1xi32> to vector<16xi32>
    %gather3A_858 = tpu.dynamic_gather %select_n3A_851[%gather3A_857] in [0] : vector<16xf32>, vector<16xi32> -> vector<16xf32>
    %add3A_859 = arith.addf %select_n3A_851, %gather3A_858 : vector<16xf32>
    %xor3A_860 = arith.constant 4 : i32
    %xor3A_861 = vector.broadcast %xor3A_860 : i32 to vector<16xi32>
    %xor3A_862 = arith.xori %iota3A_852, %xor3A_861 : vector<16xi32>
    %reshape3A_863 = vector.shape_cast %xor3A_862 : vector<16xi32> to vector<16x1xi32>
    %gather3A_864 = vector.shape_cast %reshape3A_863 : vector<16x1xi32> to vector<16xi32>
    %gather3A_865 = tpu.dynamic_gather %add3A_859[%gather3A_864] in [0] : vector<16xf32>, vector<16xi32> -> vector<16xf32>
    %add3A_866 = arith.addf %add3A_859, %gather3A_865 : vector<16xf32>
    %xor3A_867 = arith.constant 2 : i32
    %xor3A_868 = vector.broadcast %xor3A_867 : i32 to vector<16xi32>
    %xor3A_869 = arith.xori %iota3A_852, %xor3A_868 : vector<16xi32>
    %reshape3A_870 = vector.shape_cast %xor3A_869 : vector<16xi32> to vector<16x1xi32>
    %gather3A_871 = vector.shape_cast %reshape3A_870 : vector<16x1xi32> to vector<16xi32>
    %gather3A_872 = tpu.dynamic_gather %add3A_866[%gather3A_871] in [0] : vector<16xf32>, vector<16xi32> -> vector<16xf32>
    %add3A_873 = arith.addf %add3A_866, %gather3A_872 : vector<16xf32>
    %xor3A_874 = arith.constant 1 : i32
    %xor3A_875 = vector.broadcast %xor3A_874 : i32 to vector<16xi32>
    %xor3A_876 = arith.xori %iota3A_852, %xor3A_875 : vector<16xi32>
    %reshape3A_877 = vector.shape_cast %xor3A_876 : vector<16xi32> to vector<16x1xi32>
    %gather3A_878 = vector.shape_cast %reshape3A_877 : vector<16x1xi32> to vector<16xi32>
    %gather3A_879 = tpu.dynamic_gather %add3A_873[%gather3A_878] in [0] : vector<16xf32>, vector<16xi32> -> vector<16xf32>
    %add3A_880 = arith.addf %add3A_873, %gather3A_879 : vector<16xf32>
    %div3A = arith.divf %select_n3A_851, %add3A_880 : vector<16xf32>
    %broadcast_in_dim3A_881 = arith.constant 0.000000e+00 : f32
    %broadcast_in_dim3A_882 = vector.broadcast %broadcast_in_dim3A_881 : f32 to vector<16xf32>
    %swap3A = arith.constant 0 : index
    %swap3A_883 = tpu.vector_load %arg5[%swap3A] {strides = array<i32>} : memref<64xf32, #tpu.memory_space<vmem>>, vector<16xf32>,
    tpu.vector_store %arg5[%swap3A], %broadcast_in_dim3A_882 {strides = array<i32>} : memref<64xf32, #tpu.memory_space<vmem>>, vector<16xf32>,
    %swap3A_884 = arith.constant 16 : index
    %swap3A_885 = tpu.vector_load %arg5[%swap3A_884] {strides = array<i32>} : memref<64xf32, #tpu.memory_space<vmem>>, vector<16xf32>,
    tpu.vector_store %arg5[%swap3A_884], %broadcast_in_dim3A_882 {strides = array<i32>} : memref<64xf32, #tpu.memory_space<vmem>>, vector<16xf32>,
    %swap3A_886 = arith.constant 32 : index
    %swap3A_887 = tpu.vector_load %arg5[%swap3A_886] {strides = array<i32>} : memref<64xf32, #tpu.memory_space<vmem>>, vector<16xf32>,
    tpu.vector_store %arg5[%swap3A_886], %broadcast_in_dim3A_882 {strides = array<i32>} : memref<64xf32, #tpu.memory_space<vmem>>, vector<16xf32>,
    %swap3A_888 = arith.constant 48 : index
    %swap3A_889 = tpu.vector_load %arg5[%swap3A_888] {strides = array<i32>} : memref<64xf32, #tpu.memory_space<vmem>>, vector<16xf32>,
    tpu.vector_store %arg5[%swap3A_888], %broadcast_in_dim3A_882 {strides = array<i32>} : memref<64xf32, #tpu.memory_space<vmem>>, vector<16xf32>,
    tpu.vector_store_idx %arg5[%select_n3A_830], %div3A masked %lt3A_848 : memref<64xf32, #tpu.memory_space<vmem>>[vector<16xi32>], vector<16xf32>, vector<16xi1>
    "tpu.region"() ({
      %run_scoped3A = tpu.sem_alloc : memref<!tpu.dma_semaphore, #tpu.memory_space<semaphore_mem>>
      %dma_start3A = arith.constant 0 : i32
      %dma_start3A_890 = tpu.memref_slice %arg3[%add3A, %dma_start3A] : memref<32x64xf32, #tpu.memory_space<hbm>> -> memref<1x64xf32, #tpu.memory_space<hbm>>
      %dma_start3A_891 = tpu.memref_squeeze %dma_start3A_890 : memref<1x64xf32, #tpu.memory_space<hbm>> -> memref<64xf32, #tpu.memory_space<hbm>>
      %dma_start3A_892 = arith.constant 0 : i32
      %dma_start3A_893 = tpu.memref_slice %arg3[%add3A, %dma_start3A_892] : memref<32x64xf32, #tpu.memory_space<hbm>> -> memref<1x64xf32, #tpu.memory_space<hbm>>
      %dma_start3A_894 = tpu.memref_squeeze %dma_start3A_893 : memref<1x64xf32, #tpu.memory_space<hbm>> -> memref<64xf32, #tpu.memory_space<hbm>>
      tpu.enqueue_dma source(%arg5 : memref<64xf32, #tpu.memory_space<vmem>>) target(%dma_start3A_894 : memref<64xf32, #tpu.memory_space<hbm>>) target_semaphore(%run_scoped3A : memref<!tpu.dma_semaphore, #tpu.memory_space<semaphore_mem>>)
      %dma_wait3A = arith.constant 0 : i32
      %dma_wait3A_895 = tpu.memref_slice %arg3[%add3A, %dma_wait3A] : memref<32x64xf32, #tpu.memory_space<hbm>> -> memref<1x64xf32, #tpu.memory_space<hbm>>
      %dma_wait3A_896 = tpu.memref_squeeze %dma_wait3A_895 : memref<1x64xf32, #tpu.memory_space<hbm>> -> memref<64xf32, #tpu.memory_space<hbm>>
      %dma_wait3A_897 = arith.constant 0 : i32
      %dma_wait3A_898 = tpu.memref_slice %arg3[%add3A, %dma_wait3A_897] : memref<32x64xf32, #tpu.memory_space<hbm>> -> memref<1x64xf32, #tpu.memory_space<hbm>>
      %dma_wait3A_899 = tpu.memref_squeeze %dma_wait3A_898 : memref<1x64xf32, #tpu.memory_space<hbm>> -> memref<64xf32, #tpu.memory_space<hbm>>
      tpu.wait_dma2 semaphore(%run_scoped3A : memref<!tpu.dma_semaphore, #tpu.memory_space<semaphore_mem>>) src(%arg5 : memref<64xf32, #tpu.memory_space<vmem>>) dst(%dma_wait3A_899 : memref<64xf32, #tpu.memory_space<hbm>>)
      tpu.yield
    }) : () -> ()
    return
  }
}

module attributes {stable_mosaic.version = 14 : i64} {
  func.func @_pool_body(%arg0: i32, %arg1: memref<4x768x576xf32, #tpu.memory_space<vmem>>, %arg2: memref<64x768xbf16, #tpu.memory_space<vmem>>, %arg3: memref<1x64xf32, #tpu.memory_space<vmem>>, %arg4: memref<32x64xf32, #tpu.memory_space<vmem>>) attributes {dimension_semantics = [#tpu.dimension_semantics<arbitrary>], iteration_bounds = array<i64: 8>, scalar_prefetch = 0 : i64, scratch_operands = 0 : i64, tpu.core_type = #tpu.core_type<tc>, window_params = [{transform_indices = @transform_0, window_bounds = array<i64: 4, 768, 576>}, {pipeline_mode = #tpu.pipeline_mode<synchronous>, transform_indices = @transform_1, window_bounds = array<i64: 64, 768>}, {pipeline_mode = #tpu.pipeline_mode<synchronous>, transform_indices = @transform_2, window_bounds = array<i64: 1, 64>}, {pipeline_mode = #tpu.pipeline_mode<synchronous>, transform_indices = @transform_3, window_bounds = array<i64: 32, 64>}]} {
    %broadcast_in_dim3A = arith.constant 1.000000e+00 : f32
    %broadcast_in_dim3A_0 = vector.broadcast %broadcast_in_dim3A : f32 to vector<576x128xf32>
    %get3A = arith.constant 0 : index
    %get3A_1 = arith.constant 0 : index
    %get3A_2 = arith.constant 0 : index
    %get3A_3 = vector.load %arg1[%get3A, %get3A_1, %get3A_2] : memref<4x768x576xf32, #tpu.memory_space<vmem>>, vector<1x768x576xf32>
    %get3A_4 = vector.shape_cast %get3A_3 : vector<1x768x576xf32> to vector<768x576xf32>
    %convert_element_type3A = arith.truncf %get3A_4 : vector<768x576xf32> to vector<768x576xbf16>
    %get3A_5 = arith.constant 0 : index
    %get3A_6 = arith.constant 0 : index
    %get3A_7 = vector.load %arg2[%get3A_5, %get3A_6] : memref<64x768xbf16, #tpu.memory_space<vmem>>, vector<64x768xbf16>
    %dot_general3A = arith.constant dense<0.000000e+00> : vector<64x576xf32>
    %dot_general3A_8 = tpu.matmul %get3A_7, %convert_element_type3A, %dot_general3A {dimension_numbers = #tpu.dot_dimension_numbers<[1], [0], [0], [1], [0, 0, 1, 1], [], []>, transpose_lhs_hint = false} : vector<64x768xbf16>, vector<768x576xbf16>, vector<64x576xf32> -> vector<64x576xf32>
    %dot_general3A_9 = arith.constant dense<0.000000e+00> : vector<64x128xf32>
    %dot_general3A_10 = tpu.matmul %dot_general3A_8, %broadcast_in_dim3A_0, %dot_general3A_9 {dimension_numbers = #tpu.dot_dimension_numbers<[1], [0], [0], [1], [0, 0, 1, 1], [], []>, precision = #tpu.contract_precision<fp32>, transpose_lhs_hint = false} : vector<64x576xf32>, vector<576x128xf32>, vector<64x128xf32> -> vector<64x128xf32>
    %reduce_sum3A = arith.constant dense<0.000000e+00> : vector<64xf32>
    %reduce_sum3A_11 = vector.multi_reduction <add>, %dot_general3A_10, %reduce_sum3A [1] : vector<64x128xf32> to vector<64xf32>
    %mul3A = arith.constant 1.35633682E-5 : f32
    %mul3A_12 = vector.broadcast %mul3A : f32 to vector<64xf32>
    %mul3A_13 = arith.mulf %reduce_sum3A_11, %mul3A_12 : vector<64xf32>
    %get3A_14 = arith.constant 0 : index
    %get3A_15 = arith.constant 0 : index
    %get3A_16 = vector.load %arg3[%get3A_14, %get3A_15] : memref<1x64xf32, #tpu.memory_space<vmem>>, vector<1x64xf32>
    %get3A_17 = vector.shape_cast %get3A_16 : vector<1x64xf32> to vector<64xf32>
    %add3A = arith.addf %mul3A_13, %get3A_17 : vector<64xf32>
    %broadcast_in_dim3A_18 = vector.shape_cast %add3A : vector<64xf32> to vector<1x64xf32>
    %mul3A_19 = arith.constant 4 : i32
    %mul3A_20 = arith.muli %arg0, %mul3A_19 : i32
    %add3A_21 = arith.constant 0 : i32
    %add3A_22 = arith.addi %mul3A_20, %add3A_21 : i32
    %swap3A = arith.index_cast %add3A_22 : i32 to index
    %swap3A_23 = arith.constant 0 : index
    %swap3A_24 = vector.load %arg4[%swap3A, %swap3A_23] : memref<32x64xf32, #tpu.memory_space<vmem>>, vector<1x64xf32>
    tpu.vector_store %arg4[%swap3A, %swap3A_23], %broadcast_in_dim3A_18 {strides = array<i32>} : memref<32x64xf32, #tpu.memory_space<vmem>>, vector<1x64xf32>,
    %get3A_25 = arith.constant 1 : index
    %get3A_26 = arith.constant 0 : index
    %get3A_27 = arith.constant 0 : index
    %get3A_28 = vector.load %arg1[%get3A_25, %get3A_26, %get3A_27] : memref<4x768x576xf32, #tpu.memory_space<vmem>>, vector<1x768x576xf32>
    %get3A_29 = vector.shape_cast %get3A_28 : vector<1x768x576xf32> to vector<768x576xf32>
    %convert_element_type3A_30 = arith.truncf %get3A_29 : vector<768x576xf32> to vector<768x576xbf16>
    %get3A_31 = arith.constant 0 : index
    %get3A_32 = arith.constant 0 : index
    %get3A_33 = vector.load %arg2[%get3A_31, %get3A_32] : memref<64x768xbf16, #tpu.memory_space<vmem>>, vector<64x768xbf16>
    %dot_general3A_34 = arith.constant dense<0.000000e+00> : vector<64x576xf32>
    %dot_general3A_35 = tpu.matmul %get3A_33, %convert_element_type3A_30, %dot_general3A_34 {dimension_numbers = #tpu.dot_dimension_numbers<[1], [0], [0], [1], [0, 0, 1, 1], [], []>, transpose_lhs_hint = false} : vector<64x768xbf16>, vector<768x576xbf16>, vector<64x576xf32> -> vector<64x576xf32>
    %dot_general3A_36 = arith.constant dense<0.000000e+00> : vector<64x128xf32>
    %dot_general3A_37 = tpu.matmul %dot_general3A_35, %broadcast_in_dim3A_0, %dot_general3A_36 {dimension_numbers = #tpu.dot_dimension_numbers<[1], [0], [0], [1], [0, 0, 1, 1], [], []>, precision = #tpu.contract_precision<fp32>, transpose_lhs_hint = false} : vector<64x576xf32>, vector<576x128xf32>, vector<64x128xf32> -> vector<64x128xf32>
    %reduce_sum3A_38 = arith.constant dense<0.000000e+00> : vector<64xf32>
    %reduce_sum3A_39 = vector.multi_reduction <add>, %dot_general3A_37, %reduce_sum3A_38 [1] : vector<64x128xf32> to vector<64xf32>
    %mul3A_40 = arith.constant 1.35633682E-5 : f32
    %mul3A_41 = vector.broadcast %mul3A_40 : f32 to vector<64xf32>
    %mul3A_42 = arith.mulf %reduce_sum3A_39, %mul3A_41 : vector<64xf32>
    %get3A_43 = arith.constant 0 : index
    %get3A_44 = arith.constant 0 : index
    %get3A_45 = vector.load %arg3[%get3A_43, %get3A_44] : memref<1x64xf32, #tpu.memory_space<vmem>>, vector<1x64xf32>
    %get3A_46 = vector.shape_cast %get3A_45 : vector<1x64xf32> to vector<64xf32>
    %add3A_47 = arith.addf %mul3A_42, %get3A_46 : vector<64xf32>
    %broadcast_in_dim3A_48 = vector.shape_cast %add3A_47 : vector<64xf32> to vector<1x64xf32>
    %mul3A_49 = arith.constant 4 : i32
    %mul3A_50 = arith.muli %arg0, %mul3A_49 : i32
    %add3A_51 = arith.constant 1 : i32
    %add3A_52 = arith.addi %mul3A_50, %add3A_51 : i32
    %swap3A_53 = arith.index_cast %add3A_52 : i32 to index
    %swap3A_54 = arith.constant 0 : index
    %swap3A_55 = vector.load %arg4[%swap3A_53, %swap3A_54] : memref<32x64xf32, #tpu.memory_space<vmem>>, vector<1x64xf32>
    tpu.vector_store %arg4[%swap3A_53, %swap3A_54], %broadcast_in_dim3A_48 {strides = array<i32>} : memref<32x64xf32, #tpu.memory_space<vmem>>, vector<1x64xf32>,
    %get3A_56 = arith.constant 2 : index
    %get3A_57 = arith.constant 0 : index
    %get3A_58 = arith.constant 0 : index
    %get3A_59 = vector.load %arg1[%get3A_56, %get3A_57, %get3A_58] : memref<4x768x576xf32, #tpu.memory_space<vmem>>, vector<1x768x576xf32>
    %get3A_60 = vector.shape_cast %get3A_59 : vector<1x768x576xf32> to vector<768x576xf32>
    %convert_element_type3A_61 = arith.truncf %get3A_60 : vector<768x576xf32> to vector<768x576xbf16>
    %get3A_62 = arith.constant 0 : index
    %get3A_63 = arith.constant 0 : index
    %get3A_64 = vector.load %arg2[%get3A_62, %get3A_63] : memref<64x768xbf16, #tpu.memory_space<vmem>>, vector<64x768xbf16>
    %dot_general3A_65 = arith.constant dense<0.000000e+00> : vector<64x576xf32>
    %dot_general3A_66 = tpu.matmul %get3A_64, %convert_element_type3A_61, %dot_general3A_65 {dimension_numbers = #tpu.dot_dimension_numbers<[1], [0], [0], [1], [0, 0, 1, 1], [], []>, transpose_lhs_hint = false} : vector<64x768xbf16>, vector<768x576xbf16>, vector<64x576xf32> -> vector<64x576xf32>
    %dot_general3A_67 = arith.constant dense<0.000000e+00> : vector<64x128xf32>
    %dot_general3A_68 = tpu.matmul %dot_general3A_66, %broadcast_in_dim3A_0, %dot_general3A_67 {dimension_numbers = #tpu.dot_dimension_numbers<[1], [0], [0], [1], [0, 0, 1, 1], [], []>, precision = #tpu.contract_precision<fp32>, transpose_lhs_hint = false} : vector<64x576xf32>, vector<576x128xf32>, vector<64x128xf32> -> vector<64x128xf32>
    %reduce_sum3A_69 = arith.constant dense<0.000000e+00> : vector<64xf32>
    %reduce_sum3A_70 = vector.multi_reduction <add>, %dot_general3A_68, %reduce_sum3A_69 [1] : vector<64x128xf32> to vector<64xf32>
    %mul3A_71 = arith.constant 1.35633682E-5 : f32
    %mul3A_72 = vector.broadcast %mul3A_71 : f32 to vector<64xf32>
    %mul3A_73 = arith.mulf %reduce_sum3A_70, %mul3A_72 : vector<64xf32>
    %get3A_74 = arith.constant 0 : index
    %get3A_75 = arith.constant 0 : index
    %get3A_76 = vector.load %arg3[%get3A_74, %get3A_75] : memref<1x64xf32, #tpu.memory_space<vmem>>, vector<1x64xf32>
    %get3A_77 = vector.shape_cast %get3A_76 : vector<1x64xf32> to vector<64xf32>
    %add3A_78 = arith.addf %mul3A_73, %get3A_77 : vector<64xf32>
    %broadcast_in_dim3A_79 = vector.shape_cast %add3A_78 : vector<64xf32> to vector<1x64xf32>
    %mul3A_80 = arith.constant 4 : i32
    %mul3A_81 = arith.muli %arg0, %mul3A_80 : i32
    %add3A_82 = arith.constant 2 : i32
    %add3A_83 = arith.addi %mul3A_81, %add3A_82 : i32
    %swap3A_84 = arith.index_cast %add3A_83 : i32 to index
    %swap3A_85 = arith.constant 0 : index
    %swap3A_86 = vector.load %arg4[%swap3A_84, %swap3A_85] : memref<32x64xf32, #tpu.memory_space<vmem>>, vector<1x64xf32>
    tpu.vector_store %arg4[%swap3A_84, %swap3A_85], %broadcast_in_dim3A_79 {strides = array<i32>} : memref<32x64xf32, #tpu.memory_space<vmem>>, vector<1x64xf32>,
    %get3A_87 = arith.constant 3 : index
    %get3A_88 = arith.constant 0 : index
    %get3A_89 = arith.constant 0 : index
    %get3A_90 = vector.load %arg1[%get3A_87, %get3A_88, %get3A_89] : memref<4x768x576xf32, #tpu.memory_space<vmem>>, vector<1x768x576xf32>
    %get3A_91 = vector.shape_cast %get3A_90 : vector<1x768x576xf32> to vector<768x576xf32>
    %convert_element_type3A_92 = arith.truncf %get3A_91 : vector<768x576xf32> to vector<768x576xbf16>
    %get3A_93 = arith.constant 0 : index
    %get3A_94 = arith.constant 0 : index
    %get3A_95 = vector.load %arg2[%get3A_93, %get3A_94] : memref<64x768xbf16, #tpu.memory_space<vmem>>, vector<64x768xbf16>
    %dot_general3A_96 = arith.constant dense<0.000000e+00> : vector<64x576xf32>
    %dot_general3A_97 = tpu.matmul %get3A_95, %convert_element_type3A_92, %dot_general3A_96 {dimension_numbers = #tpu.dot_dimension_numbers<[1], [0], [0], [1], [0, 0, 1, 1], [], []>, transpose_lhs_hint = false} : vector<64x768xbf16>, vector<768x576xbf16>, vector<64x576xf32> -> vector<64x576xf32>
    %dot_general3A_98 = arith.constant dense<0.000000e+00> : vector<64x128xf32>
    %dot_general3A_99 = tpu.matmul %dot_general3A_97, %broadcast_in_dim3A_0, %dot_general3A_98 {dimension_numbers = #tpu.dot_dimension_numbers<[1], [0], [0], [1], [0, 0, 1, 1], [], []>, precision = #tpu.contract_precision<fp32>, transpose_lhs_hint = false} : vector<64x576xf32>, vector<576x128xf32>, vector<64x128xf32> -> vector<64x128xf32>
    %reduce_sum3A_100 = arith.constant dense<0.000000e+00> : vector<64xf32>
    %reduce_sum3A_101 = vector.multi_reduction <add>, %dot_general3A_99, %reduce_sum3A_100 [1] : vector<64x128xf32> to vector<64xf32>
    %mul3A_102 = arith.constant 1.35633682E-5 : f32
    %mul3A_103 = vector.broadcast %mul3A_102 : f32 to vector<64xf32>
    %mul3A_104 = arith.mulf %reduce_sum3A_101, %mul3A_103 : vector<64xf32>
    %get3A_105 = arith.constant 0 : index
    %get3A_106 = arith.constant 0 : index
    %get3A_107 = vector.load %arg3[%get3A_105, %get3A_106] : memref<1x64xf32, #tpu.memory_space<vmem>>, vector<1x64xf32>
    %get3A_108 = vector.shape_cast %get3A_107 : vector<1x64xf32> to vector<64xf32>
    %add3A_109 = arith.addf %mul3A_104, %get3A_108 : vector<64xf32>
    %broadcast_in_dim3A_110 = vector.shape_cast %add3A_109 : vector<64xf32> to vector<1x64xf32>
    %mul3A_111 = arith.constant 4 : i32
    %mul3A_112 = arith.muli %arg0, %mul3A_111 : i32
    %add3A_113 = arith.constant 3 : i32
    %add3A_114 = arith.addi %mul3A_112, %add3A_113 : i32
    %swap3A_115 = arith.index_cast %add3A_114 : i32 to index
    %swap3A_116 = arith.constant 0 : index
    %swap3A_117 = vector.load %arg4[%swap3A_115, %swap3A_116] : memref<32x64xf32, #tpu.memory_space<vmem>>, vector<1x64xf32>
    tpu.vector_store %arg4[%swap3A_115, %swap3A_116], %broadcast_in_dim3A_110 {strides = array<i32>} : memref<32x64xf32, #tpu.memory_space<vmem>>, vector<1x64xf32>,
    return
  }
  func.func @transform_0(%arg0: i32) -> (i32, i32, i32) {
    %c0_i32 = arith.constant 0 : i32
    %c0_i32_0 = arith.constant 0 : i32
    %c0_i32_1 = arith.constant 0 : i32
    return %arg0, %c0_i32, %c0_i32_0 : i32, i32, i32
  }
  func.func @transform_1(%arg0: i32) -> (i32, i32) {
    %c0_i32 = arith.constant 0 : i32
    %c0_i32_0 = arith.constant 0 : i32
    %c0_i32_1 = arith.constant 0 : i32
    return %c0_i32, %c0_i32_0 : i32, i32
  }
  func.func @transform_2(%arg0: i32) -> (i32, i32) {
    %c0_i32 = arith.constant 0 : i32
    %c0_i32_0 = arith.constant 0 : i32
    %c0_i32_1 = arith.constant 0 : i32
    return %c0_i32, %c0_i32_0 : i32, i32
  }
  func.func @transform_3(%arg0: i32) -> (i32, i32) {
    %c0_i32 = arith.constant 0 : i32
    %c0_i32_0 = arith.constant 0 : i32
    %c0_i32_1 = arith.constant 0 : i32
    return %c0_i32, %c0_i32_0 : i32, i32
  }
}

</mosaic_0001>

<sc_bundles>
// kernel: kernel.4.cloned.1.call-start
scs
__scs_entry_jumppad:
0x0: {  	(pc) =	sbr.rel $0x88, $3  }
0x1: {  	(tag) =	ssettag $0x0;
	lr =	simm.s32 $0x1  }
0x2: {  	[smem:$0x3F9E] =	sst lr;
	_ =	strace $0xD0000000  }
0x3: {  	_ = 	snop  }
0x4: {  	_ = 	snop  }
0x5: {  	_ = 	snop  }
0x6: {  	_ = 	snop  }
0x7: {  	_ = 	snop  }
__scs_overlays_trampoline_lowered:
0x8: {  	[smem:$0x3FAD] =	sst s0  }
0x9: {  	[smem:$0x3FAE] =	sst s1  }
0xa: {  	[smem:$0x3FAF] =	sst s2  }
0xb: {  	[smem:$0x3FB0] =	sst s3  }
0xc: {  	[smem:$0x3FB1] =	sst s4  }
0xd: {  	[smem:$0x3FB2] =	sst s5  }
0xe: {  	[smem:$0x3FB3] =	sst s6  }
0xf: {  	[smem:$0x3FB4] =	sst s7  }
0x10: {  	[smem:$0x3FB5] =	sst s8  }
0x11: {  	[smem:$0x3FB6] =	sst s9;
	s0 =	simm.s32 @!p0 $0x0  }
0x12: {  	s1 =	sld [smem:$0x3F9C];
	s0 =	simm.s32 @p0 $0x1  }
0x13: {  	[smem:$0x3FB7] =	sst s0;
	s0 =	simm.s32 @!p1 $0x0  }
0x14: {  	s2 =	sld [smem:$0x3F9B];
	s0 =	simm.s32 @p1 $0x1  }
0x15: {  	[smem:$0x3FB8] =	sst s0;
	s0 =	simm.s32 @!p2 $0x0  }
0x16: {  	s3 =	sld [smem:$0x3FDB];
	s0 =	simm.s32 @p2 $0x1  }
0x17: {  	s4 =	simm.s32 $0x1BF5;
	[smem:$0x3FBA] =	sst s0  }
0x18: {  	s0 =	sld [smem:$0x3F9D];
	_ =	swait.ge [sflag:s4], $0x0  }
0x19: {  	s7 =	sld [smem:$0x3F9E]  }
0x1a: {  	s8 =	sadd.s32 $0xFFFFE003, lr  }
0x1b: {  	s9 =	sadd.s32 $0xFFFFFEF7, lr;
	s5 =	simm.s32 $0xFFFFFFFF;
	p2 =	slt.u32 s8, $0xFFFFF086  }
0x1c: {  	p1 =	slt.u32 s9, $0xF7A;
	s5 =	simm.s32 @!p2 $0x0  }
0x1d: {  	s5 =	simm.s32 @p1 $0x1;
	p0 =	seq.s32 s7, s2  }
0x1e: {  	s7 =	smul.u32 @!p0 $0xF7A, s2;
	p2 =	seq.s32 @!p0 s5, $0x0  }
0x1f: {  	s9 =	smul.u32 $0xF7A, s1;
	s8 =	simm.s32 @!p0 $0x1BF5;
	p2 =	por !p2, p0  }
0x20: {  	[sflag:s8] =	ssyncset.s32 @!p0 $0xFFFFF086;
	s6 =	sadd.s32 @!p0 s3, s7;
	s7 =	simm.s32 @!p0 $0x108  }
0x21: {  	s3 =	sadd.s32 s3, s9;
	s6 =	sadd.s32 @!p0 $0x88, s6;
	s7 =	simm.s32 @p2 $0x1082  }
0x22: {  	[simem:s7], [sflag:s8] =	dma.local @!p0 [hbm:s6], $0xF7A  }
0x23: {  	s9 =	sor.u32 $0xD0000000, s2;
	s6 =	simm.s32 $0x108;
	_ =	swait.ge @!p0 [sflag:s8], $0x0  }
0x24: {  	s3 =	sadd.s32 $0x88, s3;
	s6 =	simm.s32 @!p1 $0x1082;
	[sflag:s4] =	ssyncset.s32 $0xFFFFF086  }
0x25: {  	[simem:s6], [sflag:s4] =	dma.local [hbm:s3], $0xF7A  }
0x26: {  	[smem:$0x3F9E] =	sst s1;
	(tag) =	ssettag s2;
	_ =	strace s9  }
0x27: {  	s1 =	sld [smem:$0x3FAE]  }
0x28: {  	s2 =	sld [smem:$0x3FAF]  }
0x29: {  	s4 =	sld [smem:$0x3FB1]  }
0x2a: {  	p0 =	seq.s32 s5, $0x0;
	s5 =	sld [smem:$0x3FB2]  }
0x2b: {  	s6 =	sld [smem:$0x3FB3]  }
0x2c: {  	s7 =	sld [smem:$0x3FB4]  }
0x2d: {  	s3 =	simm.s32 $0x108;
	s8 =	sld [smem:$0x3FB5]  }
0x2e: {  	s3 =	simm.s32 @!p0 $0x1082;
	s9 =	sld [smem:$0x3FB6]  }
0x2f: {  	lr =	sadd.s32 s0, s3;
	s0 =	sld [smem:$0x3FAD]  }
0x30: {  	s3 =	sld [smem:$0x3FB0]  }
0x31: {  	[smem:$0x3FB9] =	sst s10  }
0x32: {  	s10 =	sld [smem:$0x3FB7];
	_ =	sdelay $0x3  }
0x33: {  	p0 =	seq.s32 s10, $0x1;
	s10 =	sld [smem:$0x3FB9];
	_ =	sdelay $0x3  }
0x34: {  	[smem:$0x3FB9] =	sst s10  }
0x35: {  	s10 =	sld [smem:$0x3FB8];
	_ =	sdelay $0x3  }
0x36: {  	p1 =	seq.s32 s10, $0x1;
	s10 =	sld [smem:$0x3FB9];
	_ =	sdelay $0x3  }
0x37: {  	[smem:$0x3FB9] =	sst s10  }
0x38: {  	s10 =	sld [smem:$0x3FBA]  }
0x39: {  	_ = 	snop;
	(pc) =	sbr.ind lr, $3  }
0x3a: {  	_ = 	snop  }
0x3b: {  	_ = 	snop  }
0x3c: {  	p2 =	seq.s32 s10, $0x1;
	s10 =	sld [smem:$0x3FB9]  }
0x3d: {  	_ =	shalt  }
0x3e: {  	_ =	shalt  }
0x3f: {  	_ =	shalt  }
0x40: {  	_ =	shalt  }
0x41: {  	_ =	shalt  }
0x42: {  	_ =	shalt  }
0x43: {  	_ =	shalt  }
0x44: {  	_ =	shalt  }
0x45: {  	_ =	shalt  }
0x46: {  	_ =	shalt  }
0x47: {  	_ =	shalt  }
0x48: {  	_ =	shalt  }
0x49: {  	_ =	shalt  }
0x4a: {  	_ =	shalt  }
0x4b: {  	_ =	shalt  }
0x4c: {  	_ =	shalt  }
0x4d: {  	_ =	shalt  }
0x4e: {  	_ =	shalt  }
0x4f: {  	_ =	shalt  }
0x50: {  	_ =	shalt  }
0x51: {  	_ =	shalt  }
0x52: {  	_ =	shalt  }
0x53: {  	_ =	shalt  }
0x54: {  	_ =	shalt  }
0x55: {  	_ =	shalt  }
0x56: {  	_ =	shalt  }
0x57: {  	_ =	shalt  }
0x58: {  	_ =	shalt  }
0x59: {  	_ =	shalt  }
0x5a: {  	_ =	shalt  }
0x5b: {  	_ =	shalt  }
0x5c: {  	_ =	shalt  }
0x5d: {  	_ =	shalt  }
0x5e: {  	_ =	shalt  }
0x5f: {  	_ =	shalt  }
0x60: {  	_ =	shalt  }
0x61: {  	_ =	shalt  }
0x62: {  	_ =	shalt  }
0x63: {  	_ =	shalt  }
0x64: {  	_ =	shalt  }
0x65: {  	_ =	shalt  }
0x66: {  	_ =	shalt  }
0x67: {  	_ =	shalt  }
0x68: {  	_ =	shalt  }
0x69: {  	_ =	shalt  }
0x6a: {  	_ =	shalt  }
0x6b: {  	_ =	shalt  }
0x6c: {  	_ =	shalt  }
0x6d: {  	_ =	shalt  }
0x6e: {  	_ =	shalt  }
0x6f: {  	_ =	shalt  }
0x70: {  	_ =	shalt  }
0x71: {  	_ =	shalt  }
0x72: {  	_ =	shalt  }
0x73: {  	_ =	shalt  }
0x74: {  	_ =	shalt  }
0x75: {  	_ =	shalt  }
0x76: {  	_ =	shalt  }
0x77: {  	_ =	shalt  }
0x78: {  	_ =	shalt  }
0x79: {  	_ =	shalt  }
0x7a: {  	_ =	shalt  }
0x7b: {  	_ =	shalt  }
0x7c: {  	_ =	shalt  }
0x7d: {  	_ =	shalt  }
0x7e: {  	_ =	shalt  }
0x7f: {  	_ =	shalt  }
0x80: {  	_ =	shalt  }
0x81: {  	_ =	shalt  }
0x82: {  	_ =	shalt  }
0x83: {  	_ =	shalt  }
0x84: {  	_ =	shalt  }
0x85: {  	_ =	shalt  }
0x86: {  	_ =	shalt  }
0x87: {  	_ =	shalt  }
.Lfunc_end0:
.L_simem_size_0:
called_computation_lowered:
.L_overlay_start_0:
0x88: {  	s2 =	sld [smem:$0x3FD9]  }
0x89: {  	s3 =	sld [smem:$0x3FFE];
	_ =	sdelay $0x1  }
0x8a: {  	s1 =	srdreg.scid  }
0x8b: {  	s0 =	sand.u32 $0x1, s1  }
0x8c: {  	s17 =	sshll.u32 s0, $0xA;
	s2 =	sadd.s32 s3, s2  }
0x8d: {  	s2 =	sadd.s32 s2, s17  }
0x8e: {  	[smem:$0x3FC5] =	sst s2  }
0x8f: {  	_ = 	snop  }
0x90: {  	s2 =	sld [smem:$0x3FD0];
	(tm) =	ssettm $0x1  }
0x91: {  	s18 =	sld [smem:$0x3FFB];
	_ =	sdelay $0x3  }
0x92: {  	_ =	strace s18  }
0x93: {  	s3 =	sld [smem:$0x3FFC];
	_ =	sdelay $0x3  }
0x94: {  	_ =	strace s3  }
0x95: {  	s3 =	sld [smem:$0x3FFD];
	_ =	sdelay $0x3  }
0x96: {  	_ =	strace s3  }
0x97: {  	_ =	strace $0x8FFFFFFF  }
0x98: {  	s19 =	sld [smem:$0x3FDB];
	_ =	sdelay $0x1  }
0x99: {  	s4 =	simm.s32 $_scs_section_size  }
0x9a: {  	s5 =	simm.s32 $_size__tile_overlayer_lowered;
	s6 =	simm.s32 $_tile_overlayer_lowered  }
0x9b: {  	s22 =	simm.s32 $0x1BFF;
	s21 =	sshll.u32 s6, $0x1;
	s3 =	sadd.s32 s4, s19  }
0x9c: {  	s7 =	simm.s32 $0x0;
	s20 =	sshll.u32 s5, $0x1;
	s5 =	sadd.s32 s21, s3  }
0x9d: {  	[timem:s7], [sflag:s22] =	dma.local [hbm:s5], s20  }
0x9e: {  	_ =	swait.ge [sflag:s22], s20  }
0x9f: {  	s4 =	ssub.s32 $0x0, s20;
	[sflag:s22] =	ssyncset.done $0x0  }
0xa0: {  	[sflag:s22] =	ssyncadd.s32 s4;
	_ =	sdelay $0x1  }
0xa1: {  	s23 =	simm.s32 $0x1B8B  }
0xa2: {  	_ =	swait.ge [sflag:s23], $0x1  }
0xa3: {  	[sflag:s23] =	ssyncset.done $0x0  }
0xa4: {  	s25 =	simm.s32 $0x1B8E;
	s24 =	sld [smem:$0x3FFE];
	[sflag:s23] =	ssyncadd.s32 $0xFFFFFFFF  }
0xa5: {  	s26 =	simm.s32 $execute0_lowered;
	[smem:$0x3FD2] =	sst s25  }
0xa6: {  	s5 =	sshll.u32 s26, $0x1;
	_ =	strace $0x80000046;
	[dreg:$0x1] =	wrdreg $0xFFFFFFFF  }
0xa7: {  	s28 =	simm.s32 $_size_execute0_lowered;
	s3 =	sadd.s32 s3, s5;
	[dreg:$0x0] =	wrdreg $0x0  }
0xa8: {  	s5 =	sshll.u32 s28, $0x1;
	[dreg:$0x2] =	wrdreg s3  }
0xa9: {  	[dreg:$0x3] =	wrdreg s5  }
0xaa: {  	[dreg:$0x4] =	wrdreg $0xC0  }
0xab: {  	_ =	task [dreg:s7], $0x5FFFF  }
0xac: {  	[dreg:$0x1] =	wrdreg $0xFFFFFFFF  }
0xad: {  	[dreg:$0x0] =	wrdreg $0x60  }
0xae: {  	[dreg:$0x2] =	wrdreg s24  }
0xaf: {  	[dreg:$0x3] =	wrdreg s2  }
0xb0: {  	[dreg:$0x4] =	wrdreg $0x9  }
0xb1: {  	_ =	task.clear_ibuf [dreg:s7], $0x5FFFF;
	_ =	strace $0x90000046  }
0xb2: {  	s29 =	simm.s32 $0x9;
	_ =	strace $0x80000048  }
0xb3: {  	_ =	swait.ge [sflag:s29], $0x1  }
0xb4: {  	[sflag:s29] =	ssyncadd.s32 $0xFFFFFFFF  }
0xb5: {  	_ =	strace $0x90000048  }
0xb6: {  	_ =	sfence  }
0xb7: {  	s30 =	sld [smem:$0x0];
	_ =	sdelay $0x2  }
0xb8: {  	s31 =	sshll.u32 s1, $0xD;
	s1 =	sshrl.u32 s1, $0x2  }
0xb9: {  	s3 =	sand.u32 $0x4000, s31;
	s1 =	sadd.s32 s1, s30  }
0xba: {  	s0 =	sor.u32 s3, s0;
	s1 =	sshll.u32 s1, $0x11  }
0xbb: {  	s0 =	sor.u32 s1, s0  }
0xbc: {  	s0 =	sadd.s32 $0x8F2B, s0  }
0xbd: {  	[sflag:s0] =	ssyncadd.remote.s32 $0x1  }
0xbe: {  	_ =	sfence.sel $0xFFFF  }
0xbf: {  	[dreg:$0x0] =	wrdreg $0xFFFFFFFF;
	(pc) =	sbr.abs _section_cstart, $3  }
0xc0: {  	[dreg:$0x1] =	wrdreg $0xFFFFFFFF  }
0xc1: {  	_ =	task.clear_ibuf [dreg:s7], $0x2FFFF;
	_ =	strace $0x9FFFFFFF  }
0xc2: {  	(tm) =	ssettm $0x7FFFFFFF  }
0xc3: {  	_ =	shalt  }
tec
execute0_lowered:
.L_overlay_start_1:
0x0: {  	(tag) =	ssettag $0x1  }
0x1: {  	s1 =	srdreg.scid  }
0x2: {  	s3 =	rddreg [dreg:$0x0];
	s0 =	stileid.u32;
	s7 =	sand.u32 $0x1, s1  }
0x3: {  	s5 =	rddreg [dreg:$0x1];
	s4 =	sshll.u32 s0, $0x5;
	s6 =	sshll.u32 s7, $0x4  }
0x4: {  	s2 =	simm.s32 $0x0;
	s1 =	rddreg [dreg:$0x2];
	s6 =	sor.u32 s6, s4  }
0x5: {  	[smem:$0x7FF] =	sst s2;
	s3 =	sadd.s32 s6, s3  }
0x6: {  	_ =	strace $0x80000047;
	s4 =	sadd.s32 $0x800, s3;
	s3 =	simm.s32 $0x1  }
0x7: {  	[tilespmem:s2], [sflag:$0x1] =	stream.linear.gather [hbm4b:s4+s2], $0x80, $0x38;
	[tilespmem:$0x100] =	vst v63  }
0x8: {  	_ =	swait.ge [sflag:s3], $0x80  }
0x9: {  	[sflag:s3] =	ssyncset.done $0x0  }
0xa: {  	[sflag:s3] =	ssyncadd.s32 $0xFFFFFF80  }
0xb: {  	v10 =	vld [tilespmem:$0x30]  }
0xc: {  	v0 =	vimm.s32 $0x76543210;
	v1 =	vimm.s32 $0xFEDCBA98;
	v11 =	vld [tilespmem:$0x0]  }
0xd: {  	v2 =	vimm.s32 $0xBA98FEDC;
	v3 =	vimm.s32 $0x32107654;
	v1 =	vunpack.c.l.s4.s8 v1;
	v12 =	vld [tilespmem:$0x20]  }
0xe: {  	v0 =	vunpack.c.l.s4.s8 v0;
	v2 =	vunpack.c.l.s4.s8 v2;
	v3 =	vunpack.c.l.s4.s8 v3;
	v13 =	vld [tilespmem:$0x10]  }
0xf: {  	v1 =	vunpack.c.0.s8.s32 v1  }
0x10: {  	v0 =	vunpack.c.0.s8.s32 v0;
	v2 =	vunpack.c.0.s8.s32 v2;
	v3 =	vunpack.c.0.s8.s32 v3  }
0x11: {  	v4 =	vimm.s32 $0xDCFE98BA;
	v1 =	vand.u32 $0xF, v1  }
0x12: {  	v0 =	vcombine.low v1, v0;
	v1 =	vcombine.low v3, v2;
	v2 =	vunpack.c.l.s4.s8 v4  }
0x13: {  	v3 =	vimm.s32 $0x54761032;
	v4 =	vmax.f32 v12, v10;
	v5 =	vmax.f32 v11, v13  }
0x14: {  	v3 =	vunpack.c.l.s4.s8 v3;
	v4 =	vmax.f32 v5, v4  }
0x15: {  	v6 =	vimm.s32 $0xEFCDAB89;
	v7 =	vimm.s32 $0x67452301;
	v5 =	vperm.xlane v4, v0  }
0x16: {  	v6 =	vunpack.c.l.s4.s8 v6;
	v2 =	vunpack.c.0.s8.s32 v2;
	v3 =	vunpack.c.0.s8.s32 v3  }
0x17: {  	v7 =	vunpack.c.l.s4.s8 v7;
	v1 =	vand.u32 $0xF, v1;
	v4 =	vmax.f32 v4, v5  }
0x18: {  	v2 =	vcombine.low v3, v2;
	v3 =	vperm.xlane v4, v1  }
0x19: {  	v5 =	vunpack.c.0.s8.s32 v6;
	v6 =	vunpack.c.0.s8.s32 v7  }
0x1a: {  	v2 =	vand.u32 $0xF, v2;
	v4 =	vmax.f32 v4, v3  }
0x1b: {  	v3 =	vcombine.low v6, v5;
	v5 =	vperm.xlane v4, v2;
	_ =	sdelay $0x1  }
0x1c: {  	v3 =	vand.u32 $0xF, v3;
	v5 =	vmax.f32 v4, v5  }
0x1d: {  	v6 =	vperm.xlane v5, v3;
	_ =	sdelay $0x1  }
0x1e: {  	v4 =	vlaneseq.u32;
	v9 =	vmax.f32 v5, v6  }
0x1f: {  	v5 =	vor.u32 $0x30, v4;
	vm0 =	veq.f32 v10, v9  }
0x20: {  	v6 =	vor.u32 $0x20, v4;
	vm1 =	veq.f32 v12, v9;
	v8 =	vnsel vm0, $0x40, v5  }
0x21: {  	v7 =	vor.u32 $0x10, v4;
	vm0 =	veq.f32 v13, v9;
	v8 =	vsel vm1, v6, v8  }
0x22: {  	vm1 =	veq.f32 v11, v9;
	v8 =	vsel vm0, v7, v8  }
0x23: {  	v8 =	vsel vm1, v4, v8  }
0x24: {  	v14 =	vperm.xlane v8, v0;
	_ =	sdelay $0x1  }
0x25: {  	vm0 =	vlt.s32 v8, v14  }
0x26: {  	v8 =	vsel vm0, v8, v14  }
0x27: {  	v14 =	vperm.xlane v8, v1;
	_ =	sdelay $0x1  }
0x28: {  	vm0 =	vlt.s32 v8, v14  }
0x29: {  	v8 =	vsel vm0, v8, v14  }
0x2a: {  	v14 =	vperm.xlane v8, v2;
	_ =	sdelay $0x1  }
0x2b: {  	vm0 =	vlt.s32 v8, v14  }
0x2c: {  	v8 =	vsel vm0, v8, v14  }
0x2d: {  	v14 =	vperm.xlane v8, v3;
	_ =	sdelay $0x1  }
0x2e: {  	vm0 =	vlt.s32 v8, v14  }
0x2f: {  	v8 =	vsel vm0, v8, v14  }
0x30: {  	vm0 =	veq.s32 v8, v4;
	vm1 =	veq.s32 v8, v7  }
0x31: {  	vm2 =	veq.s32 v8, v6;
	v44 =	vsel vm0, $0xFF61B1E6, v11;
	vm0 =	veq.s32 v8, v5  }
0x32: {  	v13 =	vsel vm1, $0xFF61B1E6, v13;
	v12 =	vsel vm2, $0xFF61B1E6, v12;
	v15 =	vsel vm0, $0xFF61B1E6, v10  }
0x33: {  	v10 =	vmax.f32 v44, v13;
	v11 =	vmax.f32 v12, v15  }
0x34: {  	v10 =	vmax.f32 v10, v11  }
0x35: {  	v11 =	vperm.xlane v10, v0;
	_ =	sdelay $0x1  }
0x36: {  	v10 =	vmax.f32 v10, v11  }
0x37: {  	v11 =	vperm.xlane v10, v1;
	_ =	sdelay $0x1  }
0x38: {  	v10 =	vmax.f32 v10, v11  }
0x39: {  	v11 =	vperm.xlane v10, v2;
	_ =	sdelay $0x1  }
0x3a: {  	v10 =	vmax.f32 v10, v11  }
0x3b: {  	v11 =	vperm.xlane v10, v3;
	_ =	sdelay $0x1  }
0x3c: {  	v11 =	vmax.f32 v10, v11  }
0x3d: {  	vm0 =	veq.f32 v15, v11  }
0x3e: {  	vm1 =	veq.f32 v12, v11;
	v10 =	vnsel vm0, $0x40, v5  }
0x3f: {  	vm0 =	veq.f32 v13, v11;
	v10 =	vsel vm1, v6, v10  }
0x40: {  	vm1 =	veq.f32 v44, v11;
	v10 =	vsel vm0, v7, v10  }
0x41: {  	v10 =	vsel vm1, v4, v10  }
0x42: {  	v16 =	vperm.xlane v10, v0;
	_ =	sdelay $0x1  }
0x43: {  	vm0 =	vlt.s32 v10, v16  }
0x44: {  	v10 =	vsel vm0, v10, v16  }
0x45: {  	v16 =	vperm.xlane v10, v1;
	_ =	sdelay $0x1  }
0x46: {  	vm0 =	vlt.s32 v10, v16  }
0x47: {  	v10 =	vsel vm0, v10, v16  }
0x48: {  	v16 =	vperm.xlane v10, v2;
	_ =	sdelay $0x1  }
0x49: {  	vm0 =	vlt.s32 v10, v16  }
0x4a: {  	v10 =	vsel vm0, v10, v16  }
0x4b: {  	v16 =	vperm.xlane v10, v3;
	_ =	sdelay $0x1  }
0x4c: {  	vm0 =	vlt.s32 v10, v16  }
0x4d: {  	v10 =	vsel vm0, v10, v16  }
0x4e: {  	vm0 =	veq.s32 v10, v4;
	vm1 =	veq.s32 v10, v7  }
0x4f: {  	vm2 =	veq.s32 v10, v6;
	v14 =	vsel vm0, $0xFF61B1E6, v44;
	vm0 =	veq.s32 v10, v5  }
0x50: {  	v45 =	vsel vm1, $0xFF61B1E6, v13;
	v17 =	vsel vm2, $0xFF61B1E6, v12;
	v15 =	vsel vm0, $0xFF61B1E6, v15  }
0x51: {  	v46 =	vmax.f32 v14, v45;
	v47 =	vmax.f32 v17, v15  }
0x52: {  	v12 =	vmax.f32 v46, v47  }
0x53: {  	v13 =	vperm.xlane v12, v0;
	_ =	sdelay $0x1  }
0x54: {  	v12 =	vmax.f32 v12, v13  }
0x55: {  	v13 =	vperm.xlane v12, v1;
	_ =	sdelay $0x1  }
0x56: {  	v12 =	vmax.f32 v12, v13  }
0x57: {  	v13 =	vperm.xlane v12, v2;
	_ =	sdelay $0x1  }
0x58: {  	v12 =	vmax.f32 v12, v13  }
0x59: {  	v13 =	vperm.xlane v12, v3;
	_ =	sdelay $0x1  }
0x5a: {  	v13 =	vmax.f32 v12, v13  }
0x5b: {  	vm0 =	veq.f32 v15, v13  }
0x5c: {  	vm1 =	veq.f32 v17, v13;
	v48 =	vnsel vm0, $0x40, v5  }
0x5d: {  	vm0 =	veq.f32 v45, v13;
	v12 =	vsel vm1, v6, v48  }
0x5e: {  	vm1 =	veq.f32 v14, v13;
	v12 =	vsel vm0, v7, v12  }
0x5f: {  	v12 =	vsel vm1, v4, v12  }
0x60: {  	v18 =	vperm.xlane v12, v0;
	_ =	sdelay $0x1  }
0x61: {  	vm0 =	vlt.s32 v12, v18  }
0x62: {  	v12 =	vsel vm0, v12, v18  }
0x63: {  	v18 =	vperm.xlane v12, v1;
	_ =	sdelay $0x1  }
0x64: {  	vm0 =	vlt.s32 v12, v18  }
0x65: {  	v12 =	vsel vm0, v12, v18  }
0x66: {  	v18 =	vperm.xlane v12, v2;
	_ =	sdelay $0x1  }
0x67: {  	vm0 =	vlt.s32 v12, v18  }
0x68: {  	v12 =	vsel vm0, v12, v18  }
0x69: {  	v18 =	vperm.xlane v12, v3;
	_ =	sdelay $0x1  }
0x6a: {  	vm0 =	vlt.s32 v12, v18  }
0x6b: {  	v12 =	vsel vm0, v12, v18  }
0x6c: {  	vm0 =	veq.s32 v12, v4;
	vm1 =	veq.s32 v12, v7  }
0x6d: {  	vm2 =	veq.s32 v12, v6;
	v49 =	vsel vm0, $0xFF61B1E6, v14;
	vm0 =	veq.s32 v12, v5  }
0x6e: {  	v16 =	vsel vm1, $0xFF61B1E6, v45;
	v17 =	vsel vm2, $0xFF61B1E6, v17;
	v19 =	vsel vm0, $0xFF61B1E6, v15  }
0x6f: {  	v14 =	vmax.f32 v49, v16;
	v15 =	vmax.f32 v17, v19  }
0x70: {  	v14 =	vmax.f32 v14, v15  }
0x71: {  	v15 =	vperm.xlane v14, v0;
	_ =	sdelay $0x1  }
0x72: {  	v14 =	vmax.f32 v14, v15  }
0x73: {  	v15 =	vperm.xlane v14, v1;
	_ =	sdelay $0x1  }
0x74: {  	v14 =	vmax.f32 v14, v15  }
0x75: {  	v15 =	vperm.xlane v14, v2;
	_ =	sdelay $0x1  }
0x76: {  	v14 =	vmax.f32 v14, v15  }
0x77: {  	v15 =	vperm.xlane v14, v3;
	_ =	sdelay $0x1  }
0x78: {  	v15 =	vmax.f32 v14, v15  }
0x79: {  	vm0 =	veq.f32 v19, v15  }
0x7a: {  	vm1 =	veq.f32 v17, v15;
	v50 =	vnsel vm0, $0x40, v5  }
0x7b: {  	vm0 =	veq.f32 v16, v15;
	v14 =	vsel vm1, v6, v50  }
0x7c: {  	vm1 =	veq.f32 v49, v15;
	v14 =	vsel vm0, v7, v14  }
0x7d: {  	v14 =	vsel vm1, v4, v14  }
0x7e: {  	v20 =	vperm.xlane v14, v0;
	_ =	sdelay $0x1  }
0x7f: {  	vm0 =	vlt.s32 v14, v20  }
0x80: {  	v14 =	vsel vm0, v14, v20  }
0x81: {  	v20 =	vperm.xlane v14, v1;
	_ =	sdelay $0x1  }
0x82: {  	vm0 =	vlt.s32 v14, v20  }
0x83: {  	v14 =	vsel vm0, v14, v20  }
0x84: {  	v20 =	vperm.xlane v14, v2;
	_ =	sdelay $0x1  }
0x85: {  	vm0 =	vlt.s32 v14, v20  }
0x86: {  	v14 =	vsel vm0, v14, v20  }
0x87: {  	v20 =	vperm.xlane v14, v3;
	_ =	sdelay $0x1  }
0x88: {  	vm0 =	vlt.s32 v14, v20  }
0x89: {  	v14 =	vsel vm0, v14, v20  }
0x8a: {  	vm0 =	veq.s32 v14, v4;
	vm1 =	veq.s32 v14, v7  }
0x8b: {  	vm2 =	veq.s32 v14, v6;
	v18 =	vsel vm0, $0xFF61B1E6, v49;
	vm0 =	veq.s32 v14, v5  }
0x8c: {  	v51 =	vsel vm1, $0xFF61B1E6, v16;
	v17 =	vsel vm2, $0xFF61B1E6, v17;
	v19 =	vsel vm0, $0xFF61B1E6, v19  }
0x8d: {  	v16 =	vmax.f32 v18, v51;
	v21 =	vmax.f32 v17, v19  }
0x8e: {  	v16 =	vmax.f32 v16, v21  }
0x8f: {  	v21 =	vperm.xlane v16, v0;
	_ =	sdelay $0x1  }
0x90: {  	v16 =	vmax.f32 v16, v21  }
0x91: {  	v21 =	vperm.xlane v16, v1;
	_ =	sdelay $0x1  }
0x92: {  	v16 =	vmax.f32 v16, v21  }
0x93: {  	v21 =	vperm.xlane v16, v2;
	_ =	sdelay $0x1  }
0x94: {  	v16 =	vmax.f32 v16, v21  }
0x95: {  	v21 =	vperm.xlane v16, v3;
	_ =	sdelay $0x1  }
0x96: {  	v21 =	vmax.f32 v16, v21  }
0x97: {  	vm0 =	veq.f32 v19, v21  }
0x98: {  	vm1 =	veq.f32 v17, v21;
	v52 =	vnsel vm0, $0x40, v5  }
0x99: {  	vm0 =	veq.f32 v51, v21;
	v16 =	vsel vm1, v6, v52  }
0x9a: {  	vm1 =	veq.f32 v18, v21;
	v16 =	vsel vm0, v7, v16  }
0x9b: {  	v16 =	vsel vm1, v4, v16  }
0x9c: {  	v22 =	vperm.xlane v16, v0;
	_ =	sdelay $0x1  }
0x9d: {  	vm0 =	vlt.s32 v16, v22  }
0x9e: {  	v16 =	vsel vm0, v16, v22  }
0x9f: {  	v22 =	vperm.xlane v16, v1;
	_ =	sdelay $0x1  }
0xa0: {  	vm0 =	vlt.s32 v16, v22  }
0xa1: {  	v16 =	vsel vm0, v16, v22  }
0xa2: {  	v22 =	vperm.xlane v16, v2;
	_ =	sdelay $0x1  }
0xa3: {  	vm0 =	vlt.s32 v16, v22  }
0xa4: {  	v16 =	vsel vm0, v16, v22  }
0xa5: {  	v22 =	vperm.xlane v16, v3;
	_ =	sdelay $0x1  }
0xa6: {  	vm0 =	vlt.s32 v16, v22  }
0xa7: {  	v16 =	vsel vm0, v16, v22  }
0xa8: {  	vm0 =	veq.s32 v16, v4;
	vm1 =	veq.s32 v16, v7  }
0xa9: {  	vm2 =	veq.s32 v16, v6;
	v18 =	vsel vm0, $0xFF61B1E6, v18;
	vm0 =	veq.s32 v16, v5  }
0xaa: {  	v20 =	vsel vm1, $0xFF61B1E6, v51;
	v17 =	vsel vm2, $0xFF61B1E6, v17;
	v19 =	vsel vm0, $0xFF61B1E6, v19  }
0xab: {  	v53 =	vmax.f32 v18, v20;
	v23 =	vmax.f32 v17, v19  }
0xac: {  	v22 =	vmax.f32 v53, v23  }
0xad: {  	v23 =	vperm.xlane v22, v0;
	_ =	sdelay $0x1  }
0xae: {  	v22 =	vmax.f32 v22, v23  }
0xaf: {  	v23 =	vperm.xlane v22, v1;
	_ =	sdelay $0x1  }
0xb0: {  	v22 =	vmax.f32 v22, v23  }
0xb1: {  	v23 =	vperm.xlane v22, v2;
	_ =	sdelay $0x1  }
0xb2: {  	v22 =	vmax.f32 v22, v23  }
0xb3: {  	v23 =	vperm.xlane v22, v3;
	_ =	sdelay $0x1  }
0xb4: {  	v22 =	vmax.f32 v22, v23  }
0xb5: {  	vm0 =	veq.f32 v19, v22  }
0xb6: {  	vm1 =	veq.f32 v17, v22;
	v54 =	vnsel vm0, $0x40, v5  }
0xb7: {  	vm0 =	veq.f32 v20, v22;
	v23 =	vsel vm1, v6, v54  }
0xb8: {  	vm1 =	veq.f32 v18, v22;
	v23 =	vsel vm0, v7, v23  }
0xb9: {  	v23 =	vsel vm1, v4, v23  }
0xba: {  	v24 =	vperm.xlane v23, v0;
	_ =	sdelay $0x1  }
0xbb: {  	vm0 =	vlt.s32 v23, v24  }
0xbc: {  	v23 =	vsel vm0, v23, v24  }
0xbd: {  	v24 =	vperm.xlane v23, v1;
	_ =	sdelay $0x1  }
0xbe: {  	vm0 =	vlt.s32 v23, v24  }
0xbf: {  	v23 =	vsel vm0, v23, v24  }
0xc0: {  	v24 =	vperm.xlane v23, v2;
	_ =	sdelay $0x1  }
0xc1: {  	vm0 =	vlt.s32 v23, v24  }
0xc2: {  	v23 =	vsel vm0, v23, v24  }
0xc3: {  	v24 =	vperm.xlane v23, v3;
	_ =	sdelay $0x1  }
0xc4: {  	vm0 =	vlt.s32 v23, v24  }
0xc5: {  	v23 =	vsel vm0, v23, v24  }
0xc6: {  	vm0 =	veq.s32 v23, v4;
	vm1 =	veq.s32 v23, v7  }
0xc7: {  	vm2 =	veq.s32 v23, v6;
	v18 =	vsel vm0, $0xFF61B1E6, v18;
	vm0 =	veq.s32 v23, v5  }
0xc8: {  	v20 =	vsel vm1, $0xFF61B1E6, v20;
	v17 =	vsel vm2, $0xFF61B1E6, v17;
	v19 =	vsel vm0, $0xFF61B1E6, v19  }
0xc9: {  	v55 =	vmax.f32 v18, v20;
	v25 =	vmax.f32 v17, v19  }
0xca: {  	v24 =	vmax.f32 v55, v25  }
0xcb: {  	v25 =	vperm.xlane v24, v0;
	_ =	sdelay $0x1  }
0xcc: {  	v24 =	vmax.f32 v24, v25  }
0xcd: {  	v25 =	vperm.xlane v24, v1;
	_ =	sdelay $0x1  }
0xce: {  	v24 =	vmax.f32 v24, v25  }
0xcf: {  	v25 =	vperm.xlane v24, v2;
	_ =	sdelay $0x1  }
0xd0: {  	v24 =	vmax.f32 v24, v25  }
0xd1: {  	v25 =	vperm.xlane v24, v3;
	_ =	sdelay $0x1  }
0xd2: {  	v24 =	vmax.f32 v24, v25  }
0xd3: {  	vm0 =	veq.f32 v19, v24  }
0xd4: {  	vm1 =	veq.f32 v17, v24;
	v56 =	vnsel vm0, $0x40, v5  }
0xd5: {  	vm0 =	veq.f32 v20, v24;
	v25 =	vsel vm1, v6, v56  }
0xd6: {  	vm1 =	veq.f32 v18, v24;
	v25 =	vsel vm0, v7, v25  }
0xd7: {  	v25 =	vsel vm1, v4, v25  }
0xd8: {  	v26 =	vperm.xlane v25, v0;
	_ =	sdelay $0x1  }
0xd9: {  	vm0 =	vlt.s32 v25, v26  }
0xda: {  	v25 =	vsel vm0, v25, v26  }
0xdb: {  	v26 =	vperm.xlane v25, v1;
	_ =	sdelay $0x1  }
0xdc: {  	vm0 =	vlt.s32 v25, v26  }
0xdd: {  	v25 =	vsel vm0, v25, v26  }
0xde: {  	v26 =	vperm.xlane v25, v2;
	_ =	sdelay $0x1  }
0xdf: {  	vm0 =	vlt.s32 v25, v26  }
0xe0: {  	v25 =	vsel vm0, v25, v26  }
0xe1: {  	v26 =	vperm.xlane v25, v3;
	_ =	sdelay $0x1  }
0xe2: {  	vm0 =	vlt.s32 v25, v26  }
0xe3: {  	v25 =	vsel vm0, v25, v26  }
0xe4: {  	vm0 =	veq.s32 v25, v4;
	vm1 =	veq.s32 v25, v7  }
0xe5: {  	vm2 =	veq.s32 v25, v6;
	v18 =	vsel vm0, $0xFF61B1E6, v18;
	vm0 =	veq.s32 v25, v5  }
0xe6: {  	v20 =	vsel vm1, $0xFF61B1E6, v20;
	v17 =	vsel vm2, $0xFF61B1E6, v17;
	v19 =	vsel vm0, $0xFF61B1E6, v19  }
0xe7: {  	v57 =	vmax.f32 v18, v20;
	v27 =	vmax.f32 v17, v19  }
0xe8: {  	v26 =	vmax.f32 v57, v27  }
0xe9: {  	v27 =	vperm.xlane v26, v0;
	_ =	sdelay $0x1  }
0xea: {  	v26 =	vmax.f32 v26, v27  }
0xeb: {  	v27 =	vperm.xlane v26, v1  }
0xec: {  	vm0 =	vmmov $0x1  }
0xed: {  	vm1 =	vcmask $0x320;
	v28 =	vnsel vm0, $0x0, v9;
	v26 =	vmax.f32 v26, v27  }
0xee: {  	vm2 =	vcmask $0x720;
	v11 =	vsel vm1, v28, v11;
	v27 =	vperm.xlane v26, v2  }
0xef: {  	vm3 =	vcmask $0xB20;
	v11 =	vsel vm2, v11, v13  }
0xf0: {  	vm4 =	vcmask $0xF20;
	v11 =	vsel vm3, v11, v15;
	v58 =	vmax.f32 v26, v27  }
0xf1: {  	vm5 =	vcmask $0x1320;
	v11 =	vsel vm4, v11, v21;
	v59 =	vperm.xlane v58, v3  }
0xf2: {  	vm6 =	vcmask $0x1720;
	v11 =	vsel vm5, v11, v22  }
0xf3: {  	vm7 =	vcmask $0x1B20;
	v11 =	vsel vm6, v11, v24;
	v13 =	vmax.f32 v58, v59  }
0xf4: {  	v11 =	vsel vm7, v11, v13  }
0xf5: {  	v9 =	vsub.f32 v11, v9;
	_ =	sdelay $0x1  }
0xf6: {  	v9 =	vmul.f32 $1.442695020e+00, v9;
	_ =	sdelay $0x1  }
0xf7: {  	(erf) = vpow2.f32 v9;
	_ =	sdelay $0x5  }
0xf8: {  	vm8 =	veq.f32 v19, v13  }
0xf9: {  	vm9 =	veq.f32 v17, v13;
	v9 =	vnsel vm8, $0x40, v5  }
0xfa: {  	vm10 =	veq.f32 v20, v13;
	v9 =	vsel vm9, v6, v9  }
0xfb: {  	vm8 =	vmmov $0xff;
	vm9 =	veq.f32 v18, v13;
	v9 =	vsel vm10, v7, v9;
	v11 =	vpop (erf)  }
0xfc: {  	v13 =	vsel vm9, v4, v9;
	v9 =	vnsel vm8, $0x0, v11  }
0xfd: {  	v11 =	vperm.xlane v13, v0;
	v60 =	vperm.xlane v9, v0;
	_ =	sdelay $0x1  }
0xfe: {  	vm9 =	vlt.s32 v13, v11;
	v15 =	vadd.f32 v9, v60  }
0xff: {  	v11 =	vsel vm9, v13, v11  }
0x100: {  	v13 =	vperm.xlane v11, v1;
	v61 =	vperm.xlane v15, v1;
	_ =	sdelay $0x1  }
0x101: {  	vm9 =	vlt.s32 v11, v13;
	v15 =	vadd.f32 v15, v61  }
0x102: {  	s7 =	ssub.s32 $0x2, s7;
	v11 =	vsel vm9, v11, v13  }
0x103: {  	s8 =	sshrl.u32 s7, $0x1;
	v13 =	vperm.xlane v11, v2;
	v17 =	vperm.xlane v15, v2  }
0x104: {  	s7 =	ssub.s32 s7, s8;
	v8 =	vnsel vm0, $0x0, v8  }
0x105: {  	s7 =	smax.u32 s7, $0x1;
	v10 =	vsel vm1, v8, v10;
	vm9 =	vlt.s32 v11, v13;
	v15 =	vadd.f32 v15, v17  }
0x106: {  	p0 =	sne.s32 s7, $0x1;
	v8 =	vimm.f32 $0.0e+00;
	v10 =	vsel vm2, v10, v12;
	v11 =	vsel vm9, v11, v13  }
.Ltmp0:
0x107: {  	v10 =	vsel vm3, v10, v14;
	v62 =	vperm.xlane v11, v3;
	v63 =	vperm.xlane v15, v3;
	(pc) =	sbr.rel @!p0 .LBB2_2-.Ltmp0, $4  }
0x108: {  	[tilespmem:$0x80] =	vst v8;
	v10 =	vsel vm4, v10, v16  }
0x109: {  	[tilespmem:$0x90] =	vst v8;
	v10 =	vsel vm5, v10, v23;
	vm9 =	vlt.s32 v11, v62;
	v13 =	vadd.f32 v15, v63  }
0x10a: {  	[tilespmem:$0xA0] =	vst v8;
	v10 =	vsel vm6, v10, v25;
	v11 =	vsel vm9, v11, v62  }
0x10b: {  	s5 =	sadd.s32 s5, s6;
	s6 =	simm.s32 $0x80;
	s7 =	sadd.s32 $0xFFFFFFFF, s7;
	[tilespmem:$0xB0] =	vst v8;
	v10 =	vsel vm7, v10, v11;
	(erf) = vrcp.f32 v13  }
.LBB2_1:
0x10c: {  	_ =	sdelay $0x4  }
0x10d: {  	p0 =	sne.s32 s7, $0x1;
	s7 =	sadd.s32 $0xFFFFFFFF, s7;
	_ =	sdelay $0x2  }
0x10e: {  	v11 =	vpop (erf)  }
0x10f: {  	v9 =	vmul.f32 v11, v9;
	_ =	sdelay $0x1  }
0x110: {  	[tilespmem:v10+s6+$0x0] =	vst.idx.msk $0xff, v9  }
0x111: {  	[hbm4b:s5+s2] =	stream.linear.scatter [tilespmem:s6], [sflag:$0x1], $0x80, $0x38;
	[tilespmem:$0x100] =	vst v63  }
0x112: {  	_ =	swait.ge [sflag:s3], $0x80  }
0x113: {  	[sflag:s3] =	ssyncset.done $0x0  }
0x114: {  	[sflag:s3] =	ssyncadd.s32 $0xFFFFFF80  }
0x115: {  	[tilespmem:s2], [sflag:$0x1] =	stream.linear.gather [hbm4b:s4+s2], $0x80, $0x38;
	[tilespmem:$0x100] =	vst v63  }
0x116: {  	_ =	swait.ge [sflag:s3], $0x80  }
0x117: {  	[sflag:s3] =	ssyncset.done $0x0  }
0x118: {  	[sflag:s3] =	ssyncadd.s32 $0xFFFFFF80  }
0x119: {  	v11 =	vld [tilespmem:$0x30];
	[tilespmem:$0x80] =	vst v8  }
0x11a: {  	v12 =	vld [tilespmem:$0x0];
	[tilespmem:$0x90] =	vst v8  }
0x11b: {  	v13 =	vld [tilespmem:$0x20];
	[tilespmem:$0xA0] =	vst v8  }
0x11c: {  	v14 =	vld [tilespmem:$0x10];
	[tilespmem:$0xB0] =	vst v8;
	_ =	sdelay $0x3  }
0x11d: {  	v9 =	vmax.f32 v13, v11  }
0x11e: {  	v10 =	vmax.f32 v12, v14  }
0x11f: {  	v9 =	vmax.f32 v10, v9  }
0x120: {  	v10 =	vperm.xlane v9, v0;
	_ =	sdelay $0x1  }
0x121: {  	v9 =	vmax.f32 v9, v10  }
0x122: {  	v10 =	vperm.xlane v9, v1;
	_ =	sdelay $0x1  }
0x123: {  	v9 =	vmax.f32 v9, v10  }
0x124: {  	v10 =	vperm.xlane v9, v2;
	_ =	sdelay $0x1  }
0x125: {  	v9 =	vmax.f32 v9, v10  }
0x126: {  	v10 =	vperm.xlane v9, v3;
	_ =	sdelay $0x1  }
0x127: {  	v9 =	vmax.f32 v9, v10  }
0x128: {  	vm9 =	veq.f32 v14, v9;
	vm10 =	veq.f32 v13, v9;
	vm11 =	veq.f32 v11, v9  }
0x129: {  	vm12 =	veq.f32 v12, v9;
	v10 =	vnsel vm11, $0x40, v5  }
0x12a: {  	v10 =	vsel vm10, v6, v10  }
0x12b: {  	v10 =	vsel vm9, v7, v10  }
0x12c: {  	v10 =	vsel vm12, v4, v10  }
0x12d: {  	v15 =	vperm.xlane v10, v0;
	_ =	sdelay $0x1  }
0x12e: {  	vm9 =	vlt.s32 v10, v15  }
0x12f: {  	v10 =	vsel vm9, v10, v15  }
0x130: {  	v15 =	vperm.xlane v10, v1;
	_ =	sdelay $0x1  }
0x131: {  	vm9 =	vlt.s32 v10, v15  }
0x132: {  	v10 =	vsel vm9, v10, v15  }
0x133: {  	v15 =	vperm.xlane v10, v2;
	_ =	sdelay $0x1  }
0x134: {  	vm9 =	vlt.s32 v10, v15  }
0x135: {  	v10 =	vsel vm9, v10, v15  }
0x136: {  	v15 =	vperm.xlane v10, v3;
	_ =	sdelay $0x1  }
0x137: {  	vm9 =	vlt.s32 v10, v15  }
0x138: {  	v10 =	vsel vm9, v10, v15  }
0x139: {  	vm9 =	veq.s32 v10, v4;
	vm10 =	veq.s32 v10, v7;
	vm11 =	veq.s32 v10, v6  }
0x13a: {  	v15 =	vsel vm9, $0xFF61B1E6, v12;
	v14 =	vsel vm10, $0xFF61B1E6, v14;
	vm9 =	veq.s32 v10, v5  }
0x13b: {  	v13 =	vsel vm11, $0xFF61B1E6, v13;
	v16 =	vsel vm9, $0xFF61B1E6, v11;
	v11 =	vmax.f32 v15, v14  }
0x13c: {  	v12 =	vmax.f32 v13, v16  }
0x13d: {  	v11 =	vmax.f32 v11, v12  }
0x13e: {  	v12 =	vperm.xlane v11, v0;
	_ =	sdelay $0x1  }
0x13f: {  	v11 =	vmax.f32 v11, v12  }
0x140: {  	v12 =	vperm.xlane v11, v1;
	_ =	sdelay $0x1  }
0x141: {  	v11 =	vmax.f32 v11, v12  }
0x142: {  	v12 =	vperm.xlane v11, v2;
	_ =	sdelay $0x1  }
0x143: {  	v11 =	vmax.f32 v11, v12  }
0x144: {  	v12 =	vperm.xlane v11, v3;
	_ =	sdelay $0x1  }
0x145: {  	v12 =	vmax.f32 v11, v12  }
0x146: {  	vm9 =	veq.f32 v14, v12;
	vm10 =	veq.f32 v13, v12;
	vm11 =	veq.f32 v16, v12  }
0x147: {  	vm12 =	veq.f32 v15, v12;
	v11 =	vnsel vm11, $0x40, v5  }
0x148: {  	v11 =	vsel vm10, v6, v11  }
0x149: {  	v11 =	vsel vm9, v7, v11  }
0x14a: {  	v11 =	vsel vm12, v4, v11  }
0x14b: {  	v17 =	vperm.xlane v11, v0;
	_ =	sdelay $0x1  }
0x14c: {  	vm9 =	vlt.s32 v11, v17  }
0x14d: {  	v11 =	vsel vm9, v11, v17  }
0x14e: {  	v17 =	vperm.xlane v11, v1;
	_ =	sdelay $0x1  }
0x14f: {  	vm9 =	vlt.s32 v11, v17  }
0x150: {  	v11 =	vsel vm9, v11, v17  }
0x151: {  	v17 =	vperm.xlane v11, v2;
	_ =	sdelay $0x1  }
0x152: {  	vm9 =	vlt.s32 v11, v17  }
0x153: {  	v11 =	vsel vm9, v11, v17  }
0x154: {  	v17 =	vperm.xlane v11, v3;
	_ =	sdelay $0x1  }
0x155: {  	vm9 =	vlt.s32 v11, v17  }
0x156: {  	v11 =	vsel vm9, v11, v17  }
0x157: {  	vm9 =	veq.s32 v11, v4;
	vm10 =	veq.s32 v11, v7;
	vm11 =	veq.s32 v11, v6  }
0x158: {  	v15 =	vsel vm9, $0xFF61B1E6, v15;
	v17 =	vsel vm10, $0xFF61B1E6, v14;
	vm9 =	veq.s32 v11, v5  }
0x159: {  	v18 =	vsel vm11, $0xFF61B1E6, v13;
	v16 =	vsel vm9, $0xFF61B1E6, v16;
	v13 =	vmax.f32 v15, v17  }
0x15a: {  	v14 =	vmax.f32 v18, v16  }
0x15b: {  	v13 =	vmax.f32 v13, v14  }
0x15c: {  	v14 =	vperm.xlane v13, v0;
	_ =	sdelay $0x1  }
0x15d: {  	v13 =	vmax.f32 v13, v14  }
0x15e: {  	v14 =	vperm.xlane v13, v1;
	_ =	sdelay $0x1  }
0x15f: {  	v13 =	vmax.f32 v13, v14  }
0x160: {  	v14 =	vperm.xlane v13, v2;
	_ =	sdelay $0x1  }
0x161: {  	v13 =	vmax.f32 v13, v14  }
0x162: {  	v14 =	vperm.xlane v13, v3;
	_ =	sdelay $0x1  }
0x163: {  	v14 =	vmax.f32 v13, v14  }
0x164: {  	vm9 =	veq.f32 v17, v14;
	vm10 =	veq.f32 v18, v14;
	vm11 =	veq.f32 v16, v14  }
0x165: {  	vm12 =	veq.f32 v15, v14;
	v13 =	vnsel vm11, $0x40, v5  }
0x166: {  	v13 =	vsel vm10, v6, v13  }
0x167: {  	v13 =	vsel vm9, v7, v13  }
0x168: {  	v13 =	vsel vm12, v4, v13  }
0x169: {  	v19 =	vperm.xlane v13, v0;
	_ =	sdelay $0x1  }
0x16a: {  	vm9 =	vlt.s32 v13, v19  }
0x16b: {  	v13 =	vsel vm9, v13, v19  }
0x16c: {  	v19 =	vperm.xlane v13, v1;
	_ =	sdelay $0x1  }
0x16d: {  	vm9 =	vlt.s32 v13, v19  }
0x16e: {  	v13 =	vsel vm9, v13, v19  }
0x16f: {  	v19 =	vperm.xlane v13, v2;
	_ =	sdelay $0x1  }
0x170: {  	vm9 =	vlt.s32 v13, v19  }
0x171: {  	v13 =	vsel vm9, v13, v19  }
0x172: {  	v19 =	vperm.xlane v13, v3;
	_ =	sdelay $0x1  }
0x173: {  	vm9 =	vlt.s32 v13, v19  }
0x174: {  	v13 =	vsel vm9, v13, v19  }
0x175: {  	vm9 =	veq.s32 v13, v4;
	vm10 =	veq.s32 v13, v7;
	vm11 =	veq.s32 v13, v6  }
0x176: {  	v19 =	vsel vm9, $0xFF61B1E6, v15;
	v17 =	vsel vm10, $0xFF61B1E6, v17;
	vm9 =	veq.s32 v13, v5  }
0x177: {  	v18 =	vsel vm11, $0xFF61B1E6, v18;
	v20 =	vsel vm9, $0xFF61B1E6, v16;
	v15 =	vmax.f32 v19, v17  }
0x178: {  	v16 =	vmax.f32 v18, v20  }
0x179: {  	v15 =	vmax.f32 v15, v16  }
0x17a: {  	v16 =	vperm.xlane v15, v0;
	_ =	sdelay $0x1  }
0x17b: {  	v15 =	vmax.f32 v15, v16  }
0x17c: {  	v16 =	vperm.xlane v15, v1;
	_ =	sdelay $0x1  }
0x17d: {  	v15 =	vmax.f32 v15, v16  }
0x17e: {  	v16 =	vperm.xlane v15, v2;
	_ =	sdelay $0x1  }
0x17f: {  	v15 =	vmax.f32 v15, v16  }
0x180: {  	v16 =	vperm.xlane v15, v3;
	_ =	sdelay $0x1  }
0x181: {  	v16 =	vmax.f32 v15, v16  }
0x182: {  	vm9 =	veq.f32 v17, v16;
	vm10 =	veq.f32 v18, v16;
	vm11 =	veq.f32 v20, v16  }
0x183: {  	vm12 =	veq.f32 v19, v16;
	v15 =	vnsel vm11, $0x40, v5  }
0x184: {  	v15 =	vsel vm10, v6, v15  }
0x185: {  	v15 =	vsel vm9, v7, v15  }
0x186: {  	v15 =	vsel vm12, v4, v15  }
0x187: {  	v21 =	vperm.xlane v15, v0;
	_ =	sdelay $0x1  }
0x188: {  	vm9 =	vlt.s32 v15, v21  }
0x189: {  	v15 =	vsel vm9, v15, v21  }
0x18a: {  	v21 =	vperm.xlane v15, v1;
	_ =	sdelay $0x1  }
0x18b: {  	vm9 =	vlt.s32 v15, v21  }
0x18c: {  	v15 =	vsel vm9, v15, v21  }
0x18d: {  	v21 =	vperm.xlane v15, v2;
	_ =	sdelay $0x1  }
0x18e: {  	vm9 =	vlt.s32 v15, v21  }
0x18f: {  	v15 =	vsel vm9, v15, v21  }
0x190: {  	v21 =	vperm.xlane v15, v3;
	_ =	sdelay $0x1  }
0x191: {  	vm9 =	vlt.s32 v15, v21  }
0x192: {  	v15 =	vsel vm9, v15, v21  }
0x193: {  	vm9 =	veq.s32 v15, v4;
	vm10 =	veq.s32 v15, v7;
	vm11 =	veq.s32 v15, v6  }
0x194: {  	v19 =	vsel vm9, $0xFF61B1E6, v19;
	v21 =	vsel vm10, $0xFF61B1E6, v17;
	vm9 =	veq.s32 v15, v5  }
0x195: {  	v22 =	vsel vm11, $0xFF61B1E6, v18;
	v20 =	vsel vm9, $0xFF61B1E6, v20;
	v17 =	vmax.f32 v19, v21  }
0x196: {  	v18 =	vmax.f32 v22, v20  }
0x197: {  	v17 =	vmax.f32 v17, v18  }
0x198: {  	v18 =	vperm.xlane v17, v0;
	_ =	sdelay $0x1  }
0x199: {  	v17 =	vmax.f32 v17, v18  }
0x19a: {  	v18 =	vperm.xlane v17, v1;
	_ =	sdelay $0x1  }
0x19b: {  	v17 =	vmax.f32 v17, v18  }
0x19c: {  	v18 =	vperm.xlane v17, v2;
	_ =	sdelay $0x1  }
0x19d: {  	v17 =	vmax.f32 v17, v18  }
0x19e: {  	v18 =	vperm.xlane v17, v3;
	_ =	sdelay $0x1  }
0x19f: {  	v18 =	vmax.f32 v17, v18  }
0x1a0: {  	vm9 =	veq.f32 v21, v18;
	vm10 =	veq.f32 v22, v18;
	vm11 =	veq.f32 v20, v18  }
0x1a1: {  	vm12 =	veq.f32 v19, v18;
	v17 =	vnsel vm11, $0x40, v5  }
0x1a2: {  	v17 =	vsel vm10, v6, v17  }
0x1a3: {  	v17 =	vsel vm9, v7, v17  }
0x1a4: {  	v17 =	vsel vm12, v4, v17  }
0x1a5: {  	v23 =	vperm.xlane v17, v0;
	_ =	sdelay $0x1  }
0x1a6: {  	vm9 =	vlt.s32 v17, v23  }
0x1a7: {  	v17 =	vsel vm9, v17, v23  }
0x1a8: {  	v23 =	vperm.xlane v17, v1;
	_ =	sdelay $0x1  }
0x1a9: {  	vm9 =	vlt.s32 v17, v23  }
0x1aa: {  	v17 =	vsel vm9, v17, v23  }
0x1ab: {  	v23 =	vperm.xlane v17, v2;
	_ =	sdelay $0x1  }
0x1ac: {  	vm9 =	vlt.s32 v17, v23  }
0x1ad: {  	v17 =	vsel vm9, v17, v23  }
0x1ae: {  	v23 =	vperm.xlane v17, v3;
	_ =	sdelay $0x1  }
0x1af: {  	vm9 =	vlt.s32 v17, v23  }
0x1b0: {  	v17 =	vsel vm9, v17, v23  }
0x1b1: {  	vm9 =	veq.s32 v17, v4;
	vm10 =	veq.s32 v17, v7;
	vm11 =	veq.s32 v17, v6  }
0x1b2: {  	v23 =	vsel vm9, $0xFF61B1E6, v19;
	v21 =	vsel vm10, $0xFF61B1E6, v21;
	vm9 =	veq.s32 v17, v5  }
0x1b3: {  	v22 =	vsel vm11, $0xFF61B1E6, v22;
	v24 =	vsel vm9, $0xFF61B1E6, v20;
	v19 =	vmax.f32 v23, v21  }
0x1b4: {  	v20 =	vmax.f32 v22, v24  }
0x1b5: {  	v19 =	vmax.f32 v19, v20  }
0x1b6: {  	v20 =	vperm.xlane v19, v0;
	_ =	sdelay $0x1  }
0x1b7: {  	v19 =	vmax.f32 v19, v20  }
0x1b8: {  	v20 =	vperm.xlane v19, v1;
	_ =	sdelay $0x1  }
0x1b9: {  	v19 =	vmax.f32 v19, v20  }
0x1ba: {  	v20 =	vperm.xlane v19, v2;
	_ =	sdelay $0x1  }
0x1bb: {  	v19 =	vmax.f32 v19, v20  }
0x1bc: {  	v20 =	vperm.xlane v19, v3;
	_ =	sdelay $0x1  }
0x1bd: {  	v20 =	vmax.f32 v19, v20  }
0x1be: {  	vm9 =	veq.f32 v21, v20;
	vm10 =	veq.f32 v22, v20;
	vm11 =	veq.f32 v24, v20  }
0x1bf: {  	vm12 =	veq.f32 v23, v20;
	v19 =	vnsel vm11, $0x40, v5  }
0x1c0: {  	v19 =	vsel vm10, v6, v19  }
0x1c1: {  	v19 =	vsel vm9, v7, v19  }
0x1c2: {  	v19 =	vsel vm12, v4, v19  }
0x1c3: {  	v25 =	vperm.xlane v19, v0;
	_ =	sdelay $0x1  }
0x1c4: {  	vm9 =	vlt.s32 v19, v25  }
0x1c5: {  	v19 =	vsel vm9, v19, v25  }
0x1c6: {  	v25 =	vperm.xlane v19, v1;
	_ =	sdelay $0x1  }
0x1c7: {  	vm9 =	vlt.s32 v19, v25  }
0x1c8: {  	v19 =	vsel vm9, v19, v25  }
0x1c9: {  	v25 =	vperm.xlane v19, v2;
	_ =	sdelay $0x1  }
0x1ca: {  	vm9 =	vlt.s32 v19, v25  }
0x1cb: {  	v19 =	vsel vm9, v19, v25  }
0x1cc: {  	v25 =	vperm.xlane v19, v3;
	_ =	sdelay $0x1  }
0x1cd: {  	vm9 =	vlt.s32 v19, v25  }
0x1ce: {  	v19 =	vsel vm9, v19, v25  }
0x1cf: {  	vm9 =	veq.s32 v19, v4;
	vm10 =	veq.s32 v19, v7;
	vm11 =	veq.s32 v19, v6  }
0x1d0: {  	v23 =	vsel vm9, $0xFF61B1E6, v23;
	v21 =	vsel vm10, $0xFF61B1E6, v21;
	vm9 =	veq.s32 v19, v5  }
0x1d1: {  	v22 =	vsel vm11, $0xFF61B1E6, v22;
	v24 =	vsel vm9, $0xFF61B1E6, v24;
	v25 =	vmax.f32 v23, v21  }
0x1d2: {  	v26 =	vmax.f32 v22, v24  }
0x1d3: {  	v25 =	vmax.f32 v25, v26  }
0x1d4: {  	v26 =	vperm.xlane v25, v0;
	_ =	sdelay $0x1  }
0x1d5: {  	v25 =	vmax.f32 v25, v26  }
0x1d6: {  	v26 =	vperm.xlane v25, v1;
	_ =	sdelay $0x1  }
0x1d7: {  	v25 =	vmax.f32 v25, v26  }
0x1d8: {  	v26 =	vperm.xlane v25, v2;
	_ =	sdelay $0x1  }
0x1d9: {  	v25 =	vmax.f32 v25, v26  }
0x1da: {  	v26 =	vperm.xlane v25, v3;
	_ =	sdelay $0x1  }
0x1db: {  	v25 =	vmax.f32 v25, v26  }
0x1dc: {  	vm9 =	veq.f32 v21, v25;
	vm10 =	veq.f32 v22, v25;
	vm11 =	veq.f32 v24, v25  }
0x1dd: {  	vm12 =	veq.f32 v23, v25;
	v26 =	vnsel vm11, $0x40, v5  }
0x1de: {  	v26 =	vsel vm10, v6, v26  }
0x1df: {  	v26 =	vsel vm9, v7, v26  }
0x1e0: {  	v26 =	vsel vm12, v4, v26  }
0x1e1: {  	v27 =	vperm.xlane v26, v0;
	_ =	sdelay $0x1  }
0x1e2: {  	vm9 =	vlt.s32 v26, v27  }
0x1e3: {  	v26 =	vsel vm9, v26, v27  }
0x1e4: {  	v27 =	vperm.xlane v26, v1;
	_ =	sdelay $0x1  }
0x1e5: {  	vm9 =	vlt.s32 v26, v27  }
0x1e6: {  	v26 =	vsel vm9, v26, v27  }
0x1e7: {  	v27 =	vperm.xlane v26, v2;
	_ =	sdelay $0x1  }
0x1e8: {  	vm9 =	vlt.s32 v26, v27  }
0x1e9: {  	v26 =	vsel vm9, v26, v27  }
0x1ea: {  	v27 =	vperm.xlane v26, v3;
	_ =	sdelay $0x1  }
0x1eb: {  	vm9 =	vlt.s32 v26, v27  }
0x1ec: {  	v26 =	vsel vm9, v26, v27  }
0x1ed: {  	vm9 =	veq.s32 v26, v4;
	vm10 =	veq.s32 v26, v7;
	vm11 =	veq.s32 v26, v6  }
0x1ee: {  	v23 =	vsel vm9, $0xFF61B1E6, v23;
	v21 =	vsel vm10, $0xFF61B1E6, v21;
	vm9 =	veq.s32 v26, v5  }
0x1ef: {  	v22 =	vsel vm11, $0xFF61B1E6, v22;
	v24 =	vsel vm9, $0xFF61B1E6, v24;
	v27 =	vmax.f32 v23, v21  }
0x1f0: {  	v28 =	vmax.f32 v22, v24  }
0x1f1: {  	v27 =	vmax.f32 v27, v28  }
0x1f2: {  	v28 =	vperm.xlane v27, v0;
	_ =	sdelay $0x1  }
0x1f3: {  	v27 =	vmax.f32 v27, v28  }
0x1f4: {  	v28 =	vperm.xlane v27, v1  }
0x1f5: {  	v29 =	vnsel vm0, $0x0, v9  }
0x1f6: {  	v12 =	vsel vm1, v29, v12;
	v27 =	vmax.f32 v27, v28  }
0x1f7: {  	v12 =	vsel vm2, v12, v14;
	v14 =	vperm.xlane v27, v2  }
0x1f8: {  	v12 =	vsel vm3, v12, v16  }
0x1f9: {  	v12 =	vsel vm4, v12, v18;
	v14 =	vmax.f32 v27, v14  }
0x1fa: {  	v12 =	vsel vm5, v12, v20;
	v16 =	vperm.xlane v14, v3  }
0x1fb: {  	v12 =	vsel vm6, v12, v25  }
0x1fc: {  	v14 =	vmax.f32 v14, v16  }
0x1fd: {  	vm9 =	veq.f32 v23, v14;
	vm10 =	veq.f32 v24, v14;
	v12 =	vsel vm7, v12, v14  }
0x1fe: {  	vm11 =	veq.f32 v22, v14;
	v16 =	vnsel vm10, $0x40, v5;
	v9 =	vsub.f32 v12, v9  }
0x1ff: {  	vm10 =	veq.f32 v21, v14;
	v12 =	vsel vm11, v6, v16  }
0x200: {  	v12 =	vsel vm10, v7, v12;
	v9 =	vmul.f32 $1.442695020e+00, v9  }
0x201: {  	v12 =	vsel vm9, v4, v12  }
0x202: {  	v14 =	vperm.xlane v12, v0;
	(erf) = vpow2.f32 v9;
	_ =	sdelay $0x1  }
0x203: {  	vm9 =	vlt.s32 v12, v14  }
0x204: {  	v9 =	vsel vm9, v12, v14  }
0x205: {  	v12 =	vperm.xlane v9, v1;
	_ =	sdelay $0x1  }
0x206: {  	vm9 =	vlt.s32 v9, v12  }
0x207: {  	v12 =	vsel vm9, v9, v12  }
0x208: {  	v14 =	vperm.xlane v12, v2  }
0x209: {  	v9 =	vnsel vm0, $0x0, v10;
	v10 =	vpop (erf)  }
0x20a: {  	v11 =	vsel vm1, v9, v11;
	vm9 =	vlt.s32 v12, v14;
	v9 =	vnsel vm8, $0x0, v10  }
0x20b: {  	v10 =	vsel vm2, v11, v13;
	v11 =	vsel vm9, v12, v14;
	v12 =	vperm.xlane v9, v0  }
0x20c: {  	v10 =	vsel vm3, v10, v15;
	v13 =	vperm.xlane v11, v3  }
0x20d: {  	v10 =	vsel vm4, v10, v17;
	v12 =	vadd.f32 v9, v12  }
0x20e: {  	v10 =	vsel vm5, v10, v19;
	vm9 =	vlt.s32 v11, v13  }
0x20f: {  	v10 =	vsel vm6, v10, v26;
	v11 =	vsel vm9, v11, v13;
	v13 =	vperm.xlane v12, v1  }
0x210: {  	v10 =	vsel vm7, v10, v11  }
0x211: {  	v11 =	vadd.f32 v12, v13;
	_ =	sdelay $0x1  }
0x212: {  	v12 =	vperm.xlane v11, v2;
	_ =	sdelay $0x1  }
0x213: {  	v11 =	vadd.f32 v11, v12;
	_ =	sdelay $0x1  }
.Ltmp1:
0x214: {  	v12 =	vperm.xlane v11, v3;
	(pc) =	sbr.rel @p0 .LBB2_1-.Ltmp1, $3  }
0x215: {  	_ = 	snop  }
0x216: {  	v11 =	vadd.f32 v11, v12;
	_ =	sdelay $0x1  }
0x217: {  	(erf) = vrcp.f32 v11  }
.LBB2_2:
0x218: {  	_ =	sdelay $0x7  }
0x219: {  	v0 =	vpop (erf)  }
0x21a: {  	v0 =	vmul.f32 v0, v9;
	_ =	sdelay $0x1  }
0x21b: {  	[tilespmem:v10+s6+$0x0] =	vst.idx.msk $0xff, v0  }
0x21c: {  	[hbm4b:s5+s2] =	stream.linear.scatter [tilespmem:s6], [sflag:$0x1], $0x80, $0x38;
	[tilespmem:$0x100] =	vst v63  }
0x21d: {  	_ =	swait.ge [sflag:s3], $0x80  }
0x21e: {  	[sflag:s3] =	ssyncset.done $0x0  }
0x21f: {  	[sflag:s3] =	ssyncadd.s32 $0xFFFFFF80  }
0x220: {  	_ =	sfence.sel $0x180000  }
0x221: {  	[bflag:$0x0] =	sbarrier.arrive $0xFFFF  }
0x222: {  	p0 =	sne.s32 s0, $0x0;
	_ =	strace $0x90000047  }
0x223: {  	s0 =	sadd.s32 @!p0 $0x100000, s1;
	[bflag:$0x2] =	sbarrier.arrive $0xFFFF  }
0x224: {  	[sflag:s0] =	ssyncadd.tile.s32 @!p0 $0x1;
	_ =	shalt  }
.Lfunc_end2:
_tile_overlayer_lowered:
.L_overlay_start_2:
0x225: {  	(tag) =	ssettag $0x2  }
0x226: {  	s0 =	rddreg [dreg:$0x0];
	s2 =	stileid.u32  }
0x227: {  	s1 =	rddreg [dreg:$0x1];
	p0 =	sne.s32 s2, $0x0  }
0x228: {  	s3 =	rddreg [dreg:$0x2];
	[bflag:$0x3] =	sbarrier.arrive $0xFFFF;
	s2 =	simm.s32 @!p0 $0x1C01  }
0x229: {  	[timem:s3], [sflag:s2] =	dma.local @!p0 [hbm:s0], s1  }
0x22a: {  	s0 =	simm.s32 @!p0 $0x1  }
0x22b: {  	_ =	swait.ge @!p0 [sflag:s0], s1  }
0x22c: {  	s1 =	ssub.s32 @!p0 $0x0, s1;
	[sflag:s0] =	ssyncset.done @!p0 $0x0  }
0x22d: {  	[sflag:s0] =	ssyncadd.s32 @!p0 s1  }
0x22e: {  	[bflag:$0x3] =	sbarrier.arrive $0xFFFF  }
0x22f: {  	_ =	shalt  }

</sc_bundles>
